<compile_context>
chip_gen: v7x
topology: tpu7x:2x2x1
jax: 0.10.2.dev20260603
libtpu: 0.0.44.dev20260713+nightly
codegen_flags: <defaults>
</compile_context>

<pallas_src>
import functools

import jax
import jax.numpy as jnp
from jax import lax
from jax.experimental import pallas as pl
from jax.experimental.pallas import tpu as pltpu
from jax.experimental.pallas import tpu_sc as plsc

EMBED_DIM = 300
PAD_DIM = 384
BATCH = 4096
SEQ = 200
B_TOTAL = BATCH * SEQ
NUM_WORKERS = 32
B_PER_W = B_TOTAL // NUM_WORKERS
CHUNK = 128
N_CHUNKS = B_PER_W // CHUNK
N_PAIRS = N_CHUNKS // 2

_mesh = plsc.VectorSubcoreMesh(core_axis_name="c", subcore_axis_name="s")


@functools.partial(
    pl.kernel,
    mesh=_mesh,
    out_type=jax.ShapeDtypeStruct((B_TOTAL, EMBED_DIM), jnp.float32),
    scratch_types=[
        pltpu.VMEM((2, CHUNK), jnp.int32),
        pltpu.VMEM((CHUNK, PAD_DIM), jnp.float32),
        pltpu.VMEM((CHUNK, PAD_DIM), jnp.float32),
        pltpu.SemaphoreType.DMA,
        pltpu.SemaphoreType.DMA,
        pltpu.SemaphoreType.DMA,
        pltpu.SemaphoreType.DMA,
    ],
)
def _embed_gather(idx_hbm, tab_hbm, out_hbm, idx_v, rows0, rows1, g0, g1,
                  o0, o1):
    wid = lax.axis_index("s") * 2 + lax.axis_index("c")
    wbase = wid * B_PER_W
    rows = (rows0, rows1)
    gsem = (g0, g1)
    osem = (o0, o1)
    tabp = tab_hbm.at[:, pl.ds(0, PAD_DIM)]

    def out_slice(g):
        return out_hbm.at[pl.ds(wbase + g * CHUNK, CHUNK), pl.ds(0, PAD_DIM)]

    def start_gather(g, k):
        pltpu.sync_copy(idx_hbm.at[pl.ds(wbase + g * CHUNK, CHUNK)],
                        idx_v.at[k])
        pltpu.async_copy(tabp.at[idx_v.at[k]], rows[k], gsem[k])

    def start_store(g, k):
        pltpu.make_async_copy(tabp.at[idx_v.at[k]], rows[k], gsem[k]).wait()
        pltpu.async_copy(rows[k], out_slice(g), osem[k])

    def wait_store(g, k):
        pltpu.make_async_copy(rows[k], out_slice(g), osem[k]).wait()

    start_gather(0, 0)

    def body(p, carry):
        a = 2 * p
        b = a + 1

        @pl.when(p > 0)
        def _():
            wait_store(b - 2, 1)

        start_gather(b, 1)
        start_store(a, 0)
        wait_store(a, 0)

        @pl.when(p < N_PAIRS - 1)
        def _():
            start_gather(a + 2, 0)

        start_store(b, 1)
        return carry

    lax.fori_loop(0, N_PAIRS, body, 0)
    wait_store(N_CHUNKS - 1, 1)


def kernel(x, weight):
    idx = x.reshape(-1).astype(jnp.int32)
    out = _embed_gather(idx, weight)
    return out.reshape(BATCH, SEQ, EMBED_DIM)

# --- scband reference (transcript-rebuilt; emitter-appended) ---
"""Pipeline reference for scband-embedding-seq-4947802325618 (READ-ONLY COPY).

The authoritative reference and input builder live on the scoring server;
editing this copy changes nothing except your own understanding.
"""

import jax, jax.numpy as jnp
import numpy as np

VOCAB = 100000
EMBED_DIM = 300
BATCH = 4096
SEQ = 200

def setup_inputs(seed: int = 0) -> dict:
    key = jax.random.key(seed)
    k1, k2 = jax.random.split(key)
    x = jax.random.randint(k1, (BATCH, SEQ), 0, VOCAB, dtype=jnp.int64)
    weight = jax.random.normal(k2, (VOCAB, EMBED_DIM), dtype=jnp.float32)
    return {"x": x, "weight": weight}

def reference(x, weight):
    # Faithful translation: out = embedding(x.long()) -> table gather
    idx = x.astype(jnp.int32)
    out = jnp.take(weight, idx, axis=0)
    return out

if __name__ == "__main__":
    import jax
    _d = setup_inputs()
    print(jax.jit(kernel)(*tuple(_d.values())))

</pallas_src>

<mosaic_0001>
#map = affine_map<(d0, d1) -> (0)>
#map1 = affine_map<(d0, d1) -> (0, 0)>
module attributes {stable_mosaic.version = 14 : i64} {
  func.func @_embed_gather(%arg0: i32, %arg1: i32, %arg2: memref<819200xi32, #tpu.memory_space<hbm>>, %arg3: memref<100000x300xf32, #tpu.memory_space<hbm>>, %arg4: memref<819200x300xf32, #tpu.memory_space<hbm>>, %arg5: memref<2x128xi32, #tpu.memory_space<vmem>>, %arg6: memref<128x384xf32, #tpu.memory_space<vmem>>, %arg7: memref<128x384xf32, #tpu.memory_space<vmem>>, %arg8: memref<!tpu.dma_semaphore, #tpu.memory_space<semaphore_mem>>, %arg9: memref<!tpu.dma_semaphore, #tpu.memory_space<semaphore_mem>>, %arg10: memref<!tpu.dma_semaphore, #tpu.memory_space<semaphore_mem>>, %arg11: memref<!tpu.dma_semaphore, #tpu.memory_space<semaphore_mem>>) attributes {dimension_semantics = [#tpu.dimension_semantics<core_parallel>, #tpu.dimension_semantics<subcore_parallel>], iteration_bounds = array<i64: 2, 16>, scalar_prefetch = 0 : i64, scratch_operands = 7 : i64, tpu.core_type = #tpu.core_type<sc_vector_subcore>, window_params = [{transform_indices = #map}, {transform_indices = #map1}, {transform_indices = #map1}]} {
    %mul3A = arith.constant 2 : i32
    %mul3A_0 = arith.muli %arg1, %mul3A : i32
    %add3A = arith.addi %mul3A_0, %arg0 : i32
    %mul3A_1 = arith.constant 25600 : i32
    %mul3A_2 = arith.muli %add3A, %mul3A_1 : i32
    %add3A_3 = arith.constant 0 : i32
    %add3A_4 = arith.addi %mul3A_2, %add3A_3 : i32
    %run_scoped3A = arith.constant 0 : i32
    "tpu.region"() ({
      %run_scoped3A_24 = tpu.sem_alloc : memref<!tpu.dma_semaphore, #tpu.memory_space<semaphore_mem>>
      %dma_start3A_25 = arith.constant 0 : i32
      %dma_start3A_26 = tpu.memref_slice %arg5[%run_scoped3A, %dma_start3A_25] : memref<2x128xi32, #tpu.memory_space<vmem>> -> memref<1x128xi32, #tpu.memory_space<vmem>>
      %dma_start3A_27 = tpu.memref_squeeze %dma_start3A_26 : memref<1x128xi32, #tpu.memory_space<vmem>> -> memref<128xi32, #tpu.memory_space<vmem>>
      %dma_start3A_28 = tpu.memref_slice %arg2[%add3A_4] : memref<819200xi32, #tpu.memory_space<hbm>> -> memref<128xi32, #tpu.memory_space<hbm>>
      %dma_start3A_29 = arith.constant 0 : i32
      %dma_start3A_30 = tpu.memref_slice %arg5[%run_scoped3A, %dma_start3A_29] : memref<2x128xi32, #tpu.memory_space<vmem>> -> memref<1x128xi32, #tpu.memory_space<vmem>>
      %dma_start3A_31 = tpu.memref_squeeze %dma_start3A_30 : memref<1x128xi32, #tpu.memory_space<vmem>> -> memref<128xi32, #tpu.memory_space<vmem>>
      %dma_start3A_32 = tpu.memref_slice %arg2[%add3A_4] : memref<819200xi32, #tpu.memory_space<hbm>> -> memref<128xi32, #tpu.memory_space<hbm>>
      tpu.enqueue_dma source(%dma_start3A_32 : memref<128xi32, #tpu.memory_space<hbm>>) target(%dma_start3A_31 : memref<128xi32, #tpu.memory_space<vmem>>) target_semaphore(%run_scoped3A_24 : memref<!tpu.dma_semaphore, #tpu.memory_space<semaphore_mem>>)
      %dma_wait3A_33 = arith.constant 0 : i32
      %dma_wait3A_34 = tpu.memref_slice %arg5[%run_scoped3A, %dma_wait3A_33] : memref<2x128xi32, #tpu.memory_space<vmem>> -> memref<1x128xi32, #tpu.memory_space<vmem>>
      %dma_wait3A_35 = tpu.memref_squeeze %dma_wait3A_34 : memref<1x128xi32, #tpu.memory_space<vmem>> -> memref<128xi32, #tpu.memory_space<vmem>>
      %dma_wait3A_36 = tpu.memref_slice %arg2[%add3A_4] : memref<819200xi32, #tpu.memory_space<hbm>> -> memref<128xi32, #tpu.memory_space<hbm>>
      %dma_wait3A_37 = arith.constant 0 : i32
      %dma_wait3A_38 = tpu.memref_slice %arg5[%run_scoped3A, %dma_wait3A_37] : memref<2x128xi32, #tpu.memory_space<vmem>> -> memref<1x128xi32, #tpu.memory_space<vmem>>
      %dma_wait3A_39 = tpu.memref_squeeze %dma_wait3A_38 : memref<1x128xi32, #tpu.memory_space<vmem>> -> memref<128xi32, #tpu.memory_space<vmem>>
      %dma_wait3A_40 = tpu.memref_slice %arg2[%add3A_4] : memref<819200xi32, #tpu.memory_space<hbm>> -> memref<128xi32, #tpu.memory_space<hbm>>
      tpu.wait_dma2 semaphore(%run_scoped3A_24 : memref<!tpu.dma_semaphore, #tpu.memory_space<semaphore_mem>>) src(%dma_wait3A_40 : memref<128xi32, #tpu.memory_space<hbm>>) dst(%dma_wait3A_39 : memref<128xi32, #tpu.memory_space<vmem>>)
      tpu.yield
    }) : () -> ()
    %dma_start3A = arith.constant 0 : i32
    %dma_start3A_5 = arith.constant 0 : i32
    %dma_start3A_6 = tpu.memref_slice %arg5[%dma_start3A, %dma_start3A_5] : memref<2x128xi32, #tpu.memory_space<vmem>> -> memref<1x128xi32, #tpu.memory_space<vmem>>
    %dma_start3A_7 = tpu.memref_squeeze %dma_start3A_6 : memref<1x128xi32, #tpu.memory_space<vmem>> -> memref<128xi32, #tpu.memory_space<vmem>>
    %dma_start3A_8 = arith.constant 0 : i32
    %dma_start3A_9 = arith.constant 0 : i32
    %dma_start3A_10 = tpu.memref_slice %arg3[%dma_start3A_8, %dma_start3A_9] : memref<100000x300xf32, #tpu.memory_space<hbm>> -> memref<100000x384xf32, #tpu.memory_space<hbm>>
    %dma_start3A_11 = arith.constant 0 : i32
    %dma_start3A_12 = arith.constant 0 : i32
    %dma_start3A_13 = tpu.memref_slice %dma_start3A_10[%dma_start3A_11, %dma_start3A_12] : memref<100000x384xf32, #tpu.memory_space<hbm>> -> memref<100000x384xf32, #tpu.memory_space<hbm>>
    tpu.enqueue_indirect_dma source(%dma_start3A_13 : memref<100000x384xf32, #tpu.memory_space<hbm>>) target(%arg6 : memref<128x384xf32, #tpu.memory_space<vmem>>) offsets(%dma_start3A_7 : memref<128xi32, #tpu.memory_space<vmem>>) semaphore(%arg8 : memref<!tpu.dma_semaphore, #tpu.memory_space<semaphore_mem>>)
    %scan3A = arith.constant 0 : i32
    %scan3A_14 = arith.constant 0 : i32
    %scan3A_15 = arith.constant 100 : i32
    %scan3A_16 = arith.addi %scan3A_14, %scan3A_15 : i32
    %scan3A_17 = arith.constant 1 : i32
    scf.for %scan3A_24 = %scan3A_14 to %scan3A_16 step %scan3A_17  : i32 {
      %mul3A_25 = arith.constant 2 : i32
      %mul3A_26 = arith.muli %mul3A_25, %scan3A_24 : i32
      %add3A_27 = arith.constant 1 : i32
      %add3A_28 = arith.addi %mul3A_26, %add3A_27 : i32
      %gt3A = arith.constant 0 : i32
      %gt3A_29 = arith.cmpi sgt, %scan3A_24, %gt3A : i32
      %convert_element_type3A = arith.extui %gt3A_29 : i1 to i32
      %cond3A = arith.constant 0 : i32
      %cond3A_30 = arith.cmpi ne, %convert_element_type3A, %cond3A : i32
      scf.if %cond3A_30 {
        %sub3A = arith.constant 2 : i32
        %sub3A_90 = arith.subi %add3A_28, %sub3A : i32
        %mul3A_91 = arith.constant 128 : i32
        %mul3A_92 = arith.muli %sub3A_90, %mul3A_91 : i32
        %add3A_93 = arith.addi %mul3A_2, %mul3A_92 : i32
        %dma_wait3A_94 = arith.constant 0 : i32
        %dma_wait3A_95 = tpu.memref_slice %arg4[%add3A_93, %dma_wait3A_94] : memref<819200x300xf32, #tpu.memory_space<hbm>> -> memref<128x384xf32, #tpu.memory_space<hbm>>
        %dma_wait3A_96 = arith.constant 0 : i32
        %dma_wait3A_97 = tpu.memref_slice %arg4[%add3A_93, %dma_wait3A_96] : memref<819200x300xf32, #tpu.memory_space<hbm>> -> memref<128x384xf32, #tpu.memory_space<hbm>>
        tpu.wait_dma2 semaphore(%arg11 : memref<!tpu.dma_semaphore, #tpu.memory_space<semaphore_mem>>) src(%arg7 : memref<128x384xf32, #tpu.memory_space<vmem>>) dst(%dma_wait3A_97 : memref<128x384xf32, #tpu.memory_space<hbm>>)
      } else {
      }
      %mul3A_31 = arith.constant 128 : i32
      %mul3A_32 = arith.muli %add3A_28, %mul3A_31 : i32
      %add3A_33 = arith.addi %mul3A_2, %mul3A_32 : i32
      %run_scoped3A_34 = arith.constant 1 : i32
      "tpu.region"() ({
        %run_scoped3A_90 = tpu.sem_alloc : memref<!tpu.dma_semaphore, #tpu.memory_space<semaphore_mem>>
        %dma_start3A_91 = arith.constant 0 : i32
        %dma_start3A_92 = tpu.memref_slice %arg5[%run_scoped3A_34, %dma_start3A_91] : memref<2x128xi32, #tpu.memory_space<vmem>> -> memref<1x128xi32, #tpu.memory_space<vmem>>
        %dma_start3A_93 = tpu.memref_squeeze %dma_start3A_92 : memref<1x128xi32, #tpu.memory_space<vmem>> -> memref<128xi32, #tpu.memory_space<vmem>>
        %dma_start3A_94 = tpu.memref_slice %arg2[%add3A_33] : memref<819200xi32, #tpu.memory_space<hbm>> -> memref<128xi32, #tpu.memory_space<hbm>>
        %dma_start3A_95 = arith.constant 0 : i32
        %dma_start3A_96 = tpu.memref_slice %arg5[%run_scoped3A_34, %dma_start3A_95] : memref<2x128xi32, #tpu.memory_space<vmem>> -> memref<1x128xi32, #tpu.memory_space<vmem>>
        %dma_start3A_97 = tpu.memref_squeeze %dma_start3A_96 : memref<1x128xi32, #tpu.memory_space<vmem>> -> memref<128xi32, #tpu.memory_space<vmem>>
        %dma_start3A_98 = tpu.memref_slice %arg2[%add3A_33] : memref<819200xi32, #tpu.memory_space<hbm>> -> memref<128xi32, #tpu.memory_space<hbm>>
        tpu.enqueue_dma source(%dma_start3A_98 : memref<128xi32, #tpu.memory_space<hbm>>) target(%dma_start3A_97 : memref<128xi32, #tpu.memory_space<vmem>>) target_semaphore(%run_scoped3A_90 : memref<!tpu.dma_semaphore, #tpu.memory_space<semaphore_mem>>)
        %dma_wait3A_99 = arith.constant 0 : i32
        %dma_wait3A_100 = tpu.memref_slice %arg5[%run_scoped3A_34, %dma_wait3A_99] : memref<2x128xi32, #tpu.memory_space<vmem>> -> memref<1x128xi32, #tpu.memory_space<vmem>>
        %dma_wait3A_101 = tpu.memref_squeeze %dma_wait3A_100 : memref<1x128xi32, #tpu.memory_space<vmem>> -> memref<128xi32, #tpu.memory_space<vmem>>
        %dma_wait3A_102 = tpu.memref_slice %arg2[%add3A_33] : memref<819200xi32, #tpu.memory_space<hbm>> -> memref<128xi32, #tpu.memory_space<hbm>>
        %dma_wait3A_103 = arith.constant 0 : i32
        %dma_wait3A_104 = tpu.memref_slice %arg5[%run_scoped3A_34, %dma_wait3A_103] : memref<2x128xi32, #tpu.memory_space<vmem>> -> memref<1x128xi32, #tpu.memory_space<vmem>>
        %dma_wait3A_105 = tpu.memref_squeeze %dma_wait3A_104 : memref<1x128xi32, #tpu.memory_space<vmem>> -> memref<128xi32, #tpu.memory_space<vmem>>
        %dma_wait3A_106 = tpu.memref_slice %arg2[%add3A_33] : memref<819200xi32, #tpu.memory_space<hbm>> -> memref<128xi32, #tpu.memory_space<hbm>>
        tpu.wait_dma2 semaphore(%run_scoped3A_90 : memref<!tpu.dma_semaphore, #tpu.memory_space<semaphore_mem>>) src(%dma_wait3A_106 : memref<128xi32, #tpu.memory_space<hbm>>) dst(%dma_wait3A_105 : memref<128xi32, #tpu.memory_space<vmem>>)
        tpu.yield
      }) : () -> ()
      %dma_start3A_35 = arith.constant 1 : i32
      %dma_start3A_36 = arith.constant 0 : i32
      %dma_start3A_37 = tpu.memref_slice %arg5[%dma_start3A_35, %dma_start3A_36] : memref<2x128xi32, #tpu.memory_space<vmem>> -> memref<1x128xi32, #tpu.memory_space<vmem>>
      %dma_start3A_38 = tpu.memref_squeeze %dma_start3A_37 : memref<1x128xi32, #tpu.memory_space<vmem>> -> memref<128xi32, #tpu.memory_space<vmem>>
      %dma_start3A_39 = arith.constant 0 : i32
      %dma_start3A_40 = arith.constant 0 : i32
      %dma_start3A_41 = tpu.memref_slice %arg3[%dma_start3A_39, %dma_start3A_40] : memref<100000x300xf32, #tpu.memory_space<hbm>> -> memref<100000x384xf32, #tpu.memory_space<hbm>>
      %dma_start3A_42 = arith.constant 0 : i32
      %dma_start3A_43 = arith.constant 0 : i32
      %dma_start3A_44 = tpu.memref_slice %dma_start3A_41[%dma_start3A_42, %dma_start3A_43] : memref<100000x384xf32, #tpu.memory_space<hbm>> -> memref<100000x384xf32, #tpu.memory_space<hbm>>
      tpu.enqueue_indirect_dma source(%dma_start3A_44 : memref<100000x384xf32, #tpu.memory_space<hbm>>) target(%arg7 : memref<128x384xf32, #tpu.memory_space<vmem>>) offsets(%dma_start3A_38 : memref<128xi32, #tpu.memory_space<vmem>>) semaphore(%arg9 : memref<!tpu.dma_semaphore, #tpu.memory_space<semaphore_mem>>)
      %dma_wait3A_45 = arith.constant 0 : i32
      %dma_wait3A_46 = arith.constant 0 : i32
      %dma_wait3A_47 = tpu.memref_slice %arg5[%dma_wait3A_45, %dma_wait3A_46] : memref<2x128xi32, #tpu.memory_space<vmem>> -> memref<1x128xi32, #tpu.memory_space<vmem>>
      %dma_wait3A_48 = tpu.memref_squeeze %dma_wait3A_47 : memref<1x128xi32, #tpu.memory_space<vmem>> -> memref<128xi32, #tpu.memory_space<vmem>>
      %dma_wait3A_49 = arith.constant 0 : i32
      %dma_wait3A_50 = arith.constant 0 : i32
      %dma_wait3A_51 = tpu.memref_slice %arg3[%dma_wait3A_49, %dma_wait3A_50] : memref<100000x300xf32, #tpu.memory_space<hbm>> -> memref<100000x384xf32, #tpu.memory_space<hbm>>
      %dma_wait3A_52 = arith.constant 0 : i32
      %dma_wait3A_53 = arith.constant 0 : i32
      %dma_wait3A_54 = tpu.memref_slice %dma_wait3A_51[%dma_wait3A_52, %dma_wait3A_53] : memref<100000x384xf32, #tpu.memory_space<hbm>> -> memref<100000x384xf32, #tpu.memory_space<hbm>>
      tpu.wait_indirect_dma semaphore(%arg8 : memref<!tpu.dma_semaphore, #tpu.memory_space<semaphore_mem>>) src(%dma_wait3A_54 : memref<100000x384xf32, #tpu.memory_space<hbm>>) dst(%arg6 : memref<128x384xf32, #tpu.memory_space<vmem>>)
      %mul3A_55 = arith.constant 128 : i32
      %mul3A_56 = arith.muli %mul3A_26, %mul3A_55 : i32
      %add3A_57 = arith.addi %mul3A_2, %mul3A_56 : i32
      %dma_start3A_58 = arith.constant 0 : i32
      %dma_start3A_59 = tpu.memref_slice %arg4[%add3A_57, %dma_start3A_58] : memref<819200x300xf32, #tpu.memory_space<hbm>> -> memref<128x384xf32, #tpu.memory_space<hbm>>
      %dma_start3A_60 = arith.constant 0 : i32
      %dma_start3A_61 = tpu.memref_slice %arg4[%add3A_57, %dma_start3A_60] : memref<819200x300xf32, #tpu.memory_space<hbm>> -> memref<128x384xf32, #tpu.memory_space<hbm>>
      tpu.enqueue_dma source(%arg6 : memref<128x384xf32, #tpu.memory_space<vmem>>) target(%dma_start3A_61 : memref<128x384xf32, #tpu.memory_space<hbm>>) target_semaphore(%arg10 : memref<!tpu.dma_semaphore, #tpu.memory_space<semaphore_mem>>)
      %mul3A_62 = arith.constant 128 : i32
      %mul3A_63 = arith.muli %mul3A_26, %mul3A_62 : i32
      %add3A_64 = arith.addi %mul3A_2, %mul3A_63 : i32
      %dma_wait3A_65 = arith.constant 0 : i32
      %dma_wait3A_66 = tpu.memref_slice %arg4[%add3A_64, %dma_wait3A_65] : memref<819200x300xf32, #tpu.memory_space<hbm>> -> memref<128x384xf32, #tpu.memory_space<hbm>>
      %dma_wait3A_67 = arith.constant 0 : i32
      %dma_wait3A_68 = tpu.memref_slice %arg4[%add3A_64, %dma_wait3A_67] : memref<819200x300xf32, #tpu.memory_space<hbm>> -> memref<128x384xf32, #tpu.memory_space<hbm>>
      tpu.wait_dma2 semaphore(%arg10 : memref<!tpu.dma_semaphore, #tpu.memory_space<semaphore_mem>>) src(%arg6 : memref<128x384xf32, #tpu.memory_space<vmem>>) dst(%dma_wait3A_68 : memref<128x384xf32, #tpu.memory_space<hbm>>)
      %lt3A = arith.constant 99 : i32
      %lt3A_69 = arith.cmpi slt, %scan3A_24, %lt3A : i32
      %convert_element_type3A_70 = arith.extui %lt3A_69 : i1 to i32
      %cond3A_71 = arith.constant 0 : i32
      %cond3A_72 = arith.cmpi ne, %convert_element_type3A_70, %cond3A_71 : i32
      scf.if %cond3A_72 {
        %add3A_90 = arith.constant 2 : i32
        %add3A_91 = arith.addi %mul3A_26, %add3A_90 : i32
        %mul3A_92 = arith.constant 128 : i32
        %mul3A_93 = arith.muli %add3A_91, %mul3A_92 : i32
        %add3A_94 = arith.addi %mul3A_2, %mul3A_93 : i32
        %run_scoped3A_95 = arith.constant 0 : i32
        "tpu.region"() ({
          %run_scoped3A_106 = tpu.sem_alloc : memref<!tpu.dma_semaphore, #tpu.memory_space<semaphore_mem>>
          %dma_start3A_107 = arith.constant 0 : i32
          %dma_start3A_108 = tpu.memref_slice %arg5[%run_scoped3A_95, %dma_start3A_107] : memref<2x128xi32, #tpu.memory_space<vmem>> -> memref<1x128xi32, #tpu.memory_space<vmem>>
          %dma_start3A_109 = tpu.memref_squeeze %dma_start3A_108 : memref<1x128xi32, #tpu.memory_space<vmem>> -> memref<128xi32, #tpu.memory_space<vmem>>
          %dma_start3A_110 = tpu.memref_slice %arg2[%add3A_94] : memref<819200xi32, #tpu.memory_space<hbm>> -> memref<128xi32, #tpu.memory_space<hbm>>
          %dma_start3A_111 = arith.constant 0 : i32
          %dma_start3A_112 = tpu.memref_slice %arg5[%run_scoped3A_95, %dma_start3A_111] : memref<2x128xi32, #tpu.memory_space<vmem>> -> memref<1x128xi32, #tpu.memory_space<vmem>>
          %dma_start3A_113 = tpu.memref_squeeze %dma_start3A_112 : memref<1x128xi32, #tpu.memory_space<vmem>> -> memref<128xi32, #tpu.memory_space<vmem>>
          %dma_start3A_114 = tpu.memref_slice %arg2[%add3A_94] : memref<819200xi32, #tpu.memory_space<hbm>> -> memref<128xi32, #tpu.memory_space<hbm>>
          tpu.enqueue_dma source(%dma_start3A_114 : memref<128xi32, #tpu.memory_space<hbm>>) target(%dma_start3A_113 : memref<128xi32, #tpu.memory_space<vmem>>) target_semaphore(%run_scoped3A_106 : memref<!tpu.dma_semaphore, #tpu.memory_space<semaphore_mem>>)
          %dma_wait3A_115 = arith.constant 0 : i32
          %dma_wait3A_116 = tpu.memref_slice %arg5[%run_scoped3A_95, %dma_wait3A_115] : memref<2x128xi32, #tpu.memory_space<vmem>> -> memref<1x128xi32, #tpu.memory_space<vmem>>
          %dma_wait3A_117 = tpu.memref_squeeze %dma_wait3A_116 : memref<1x128xi32, #tpu.memory_space<vmem>> -> memref<128xi32, #tpu.memory_space<vmem>>
          %dma_wait3A_118 = tpu.memref_slice %arg2[%add3A_94] : memref<819200xi32, #tpu.memory_space<hbm>> -> memref<128xi32, #tpu.memory_space<hbm>>
          %dma_wait3A_119 = arith.constant 0 : i32
          %dma_wait3A_120 = tpu.memref_slice %arg5[%run_scoped3A_95, %dma_wait3A_119] : memref<2x128xi32, #tpu.memory_space<vmem>> -> memref<1x128xi32, #tpu.memory_space<vmem>>
          %dma_wait3A_121 = tpu.memref_squeeze %dma_wait3A_120 : memref<1x128xi32, #tpu.memory_space<vmem>> -> memref<128xi32, #tpu.memory_space<vmem>>
          %dma_wait3A_122 = tpu.memref_slice %arg2[%add3A_94] : memref<819200xi32, #tpu.memory_space<hbm>> -> memref<128xi32, #tpu.memory_space<hbm>>
          tpu.wait_dma2 semaphore(%run_scoped3A_106 : memref<!tpu.dma_semaphore, #tpu.memory_space<semaphore_mem>>) src(%dma_wait3A_122 : memref<128xi32, #tpu.memory_space<hbm>>) dst(%dma_wait3A_121 : memref<128xi32, #tpu.memory_space<vmem>>)
          tpu.yield
        }) : () -> ()
        %dma_start3A_96 = arith.constant 0 : i32
        %dma_start3A_97 = arith.constant 0 : i32
        %dma_start3A_98 = tpu.memref_slice %arg5[%dma_start3A_96, %dma_start3A_97] : memref<2x128xi32, #tpu.memory_space<vmem>> -> memref<1x128xi32, #tpu.memory_space<vmem>>
        %dma_start3A_99 = tpu.memref_squeeze %dma_start3A_98 : memref<1x128xi32, #tpu.memory_space<vmem>> -> memref<128xi32, #tpu.memory_space<vmem>>
        %dma_start3A_100 = arith.constant 0 : i32
        %dma_start3A_101 = arith.constant 0 : i32
        %dma_start3A_102 = tpu.memref_slice %arg3[%dma_start3A_100, %dma_start3A_101] : memref<100000x300xf32, #tpu.memory_space<hbm>> -> memref<100000x384xf32, #tpu.memory_space<hbm>>
        %dma_start3A_103 = arith.constant 0 : i32
        %dma_start3A_104 = arith.constant 0 : i32
        %dma_start3A_105 = tpu.memref_slice %dma_start3A_102[%dma_start3A_103, %dma_start3A_104] : memref<100000x384xf32, #tpu.memory_space<hbm>> -> memref<100000x384xf32, #tpu.memory_space<hbm>>
        tpu.enqueue_indirect_dma source(%dma_start3A_105 : memref<100000x384xf32, #tpu.memory_space<hbm>>) target(%arg6 : memref<128x384xf32, #tpu.memory_space<vmem>>) offsets(%dma_start3A_99 : memref<128xi32, #tpu.memory_space<vmem>>) semaphore(%arg8 : memref<!tpu.dma_semaphore, #tpu.memory_space<semaphore_mem>>)
      } else {
      }
      %dma_wait3A_73 = arith.constant 1 : i32
      %dma_wait3A_74 = arith.constant 0 : i32
      %dma_wait3A_75 = tpu.memref_slice %arg5[%dma_wait3A_73, %dma_wait3A_74] : memref<2x128xi32, #tpu.memory_space<vmem>> -> memref<1x128xi32, #tpu.memory_space<vmem>>
      %dma_wait3A_76 = tpu.memref_squeeze %dma_wait3A_75 : memref<1x128xi32, #tpu.memory_space<vmem>> -> memref<128xi32, #tpu.memory_space<vmem>>
      %dma_wait3A_77 = arith.constant 0 : i32
      %dma_wait3A_78 = arith.constant 0 : i32
      %dma_wait3A_79 = tpu.memref_slice %arg3[%dma_wait3A_77, %dma_wait3A_78] : memref<100000x300xf32, #tpu.memory_space<hbm>> -> memref<100000x384xf32, #tpu.memory_space<hbm>>
      %dma_wait3A_80 = arith.constant 0 : i32
      %dma_wait3A_81 = arith.constant 0 : i32
      %dma_wait3A_82 = tpu.memref_slice %dma_wait3A_79[%dma_wait3A_80, %dma_wait3A_81] : memref<100000x384xf32, #tpu.memory_space<hbm>> -> memref<100000x384xf32, #tpu.memory_space<hbm>>
      tpu.wait_indirect_dma semaphore(%arg9 : memref<!tpu.dma_semaphore, #tpu.memory_space<semaphore_mem>>) src(%dma_wait3A_82 : memref<100000x384xf32, #tpu.memory_space<hbm>>) dst(%arg7 : memref<128x384xf32, #tpu.memory_space<vmem>>)
      %mul3A_83 = arith.constant 128 : i32
      %mul3A_84 = arith.muli %add3A_28, %mul3A_83 : i32
      %add3A_85 = arith.addi %mul3A_2, %mul3A_84 : i32
      %dma_start3A_86 = arith.constant 0 : i32
      %dma_start3A_87 = tpu.memref_slice %arg4[%add3A_85, %dma_start3A_86] : memref<819200x300xf32, #tpu.memory_space<hbm>> -> memref<128x384xf32, #tpu.memory_space<hbm>>
      %dma_start3A_88 = arith.constant 0 : i32
      %dma_start3A_89 = tpu.memref_slice %arg4[%add3A_85, %dma_start3A_88] : memref<819200x300xf32, #tpu.memory_space<hbm>> -> memref<128x384xf32, #tpu.memory_space<hbm>>
      tpu.enqueue_dma source(%arg7 : memref<128x384xf32, #tpu.memory_space<vmem>>) target(%dma_start3A_89 : memref<128x384xf32, #tpu.memory_space<hbm>>) target_semaphore(%arg11 : memref<!tpu.dma_semaphore, #tpu.memory_space<semaphore_mem>>)
    }
    %scan3A_18 = arith.constant 100 : i32
    %add3A_19 = arith.constant 25472 : i32
    %add3A_20 = arith.addi %mul3A_2, %add3A_19 : i32
    %dma_wait3A = arith.constant 0 : i32
    %dma_wait3A_21 = tpu.memref_slice %arg4[%add3A_20, %dma_wait3A] : memref<819200x300xf32, #tpu.memory_space<hbm>> -> memref<128x384xf32, #tpu.memory_space<hbm>>
    %dma_wait3A_22 = arith.constant 0 : i32
    %dma_wait3A_23 = tpu.memref_slice %arg4[%add3A_20, %dma_wait3A_22] : memref<819200x300xf32, #tpu.memory_space<hbm>> -> memref<128x384xf32, #tpu.memory_space<hbm>>
    tpu.wait_dma2 semaphore(%arg11 : memref<!tpu.dma_semaphore, #tpu.memory_space<semaphore_mem>>) src(%arg7 : memref<128x384xf32, #tpu.memory_space<vmem>>) dst(%dma_wait3A_23 : memref<128x384xf32, #tpu.memory_space<hbm>>)
    return
  }
}

</mosaic_0001>

<sc_bundles>
// kernel: kernel.3.cloned.1.call-start
scs
__scs_entry_jumppad:
0x0: {  	(pc) =	sbr.rel $0x88, $3  }
0x1: {  	(tag) =	ssettag $0x0;
	lr =	simm.s32 $0x1  }
0x2: {  	[smem:$0x3F9F] =	sst lr;
	_ =	strace $0xD0000000  }
0x3: {  	_ = 	snop  }
0x4: {  	_ = 	snop  }
0x5: {  	_ = 	snop  }
0x6: {  	_ = 	snop  }
0x7: {  	_ = 	snop  }
__scs_overlays_trampoline_lowered:
0x8: {  	[smem:$0x3FAE] =	sst s0  }
0x9: {  	[smem:$0x3FAF] =	sst s1  }
0xa: {  	[smem:$0x3FB0] =	sst s2  }
0xb: {  	[smem:$0x3FB1] =	sst s3  }
0xc: {  	[smem:$0x3FB2] =	sst s4  }
0xd: {  	[smem:$0x3FB3] =	sst s5  }
0xe: {  	[smem:$0x3FB4] =	sst s6  }
0xf: {  	[smem:$0x3FB5] =	sst s7  }
0x10: {  	[smem:$0x3FB6] =	sst s8  }
0x11: {  	[smem:$0x3FB7] =	sst s9;
	s0 =	simm.s32 @!p0 $0x0  }
0x12: {  	s1 =	sld [smem:$0x3F9D];
	s0 =	simm.s32 @p0 $0x1  }
0x13: {  	[smem:$0x3FB8] =	sst s0;
	s0 =	simm.s32 @!p1 $0x0  }
0x14: {  	s2 =	sld [smem:$0x3F9C];
	s0 =	simm.s32 @p1 $0x1  }
0x15: {  	[smem:$0x3FB9] =	sst s0;
	s0 =	simm.s32 @!p2 $0x0  }
0x16: {  	s3 =	sld [smem:$0x3FDB];
	s0 =	simm.s32 @p2 $0x1  }
0x17: {  	s4 =	simm.s32 $0x1BF5;
	[smem:$0x3FBB] =	sst s0  }
0x18: {  	s0 =	sld [smem:$0x3F9E];
	_ =	swait.ge [sflag:s4], $0x0  }
0x19: {  	s7 =	sld [smem:$0x3F9F]  }
0x1a: {  	s8 =	sadd.s32 $0xFFFFE003, lr  }
0x1b: {  	s9 =	sadd.s32 $0xFFFFFEF7, lr;
	s5 =	simm.s32 $0xFFFFFFFF;
	p2 =	slt.u32 s8, $0xFFFFF086  }
0x1c: {  	p1 =	slt.u32 s9, $0xF7A;
	s5 =	simm.s32 @!p2 $0x0  }
0x1d: {  	s5 =	simm.s32 @p1 $0x1;
	p0 =	seq.s32 s7, s2  }
0x1e: {  	s7 =	smul.u32 @!p0 $0xF7A, s2;
	p2 =	seq.s32 @!p0 s5, $0x0  }
0x1f: {  	s9 =	smul.u32 $0xF7A, s1;
	s8 =	simm.s32 @!p0 $0x1BF5;
	p2 =	por !p2, p0  }
0x20: {  	[sflag:s8] =	ssyncset.s32 @!p0 $0xFFFFF086;
	s6 =	sadd.s32 @!p0 s3, s7;
	s7 =	simm.s32 @!p0 $0x108  }
0x21: {  	s3 =	sadd.s32 s3, s9;
	s6 =	sadd.s32 @!p0 $0x88, s6;
	s7 =	simm.s32 @p2 $0x1082  }
0x22: {  	[simem:s7], [sflag:s8] =	dma.local @!p0 [hbm:s6], $0xF7A  }
0x23: {  	s9 =	sor.u32 $0xD0000000, s2;
	s6 =	simm.s32 $0x108;
	_ =	swait.ge @!p0 [sflag:s8], $0x0  }
0x24: {  	s3 =	sadd.s32 $0x88, s3;
	s6 =	simm.s32 @!p1 $0x1082;
	[sflag:s4] =	ssyncset.s32 $0xFFFFF086  }
0x25: {  	[simem:s6], [sflag:s4] =	dma.local [hbm:s3], $0xF7A  }
0x26: {  	[smem:$0x3F9F] =	sst s1;
	(tag) =	ssettag s2;
	_ =	strace s9  }
0x27: {  	s1 =	sld [smem:$0x3FAF]  }
0x28: {  	s2 =	sld [smem:$0x3FB0]  }
0x29: {  	s4 =	sld [smem:$0x3FB2]  }
0x2a: {  	p0 =	seq.s32 s5, $0x0;
	s5 =	sld [smem:$0x3FB3]  }
0x2b: {  	s6 =	sld [smem:$0x3FB4]  }
0x2c: {  	s7 =	sld [smem:$0x3FB5]  }
0x2d: {  	s3 =	simm.s32 $0x108;
	s8 =	sld [smem:$0x3FB6]  }
0x2e: {  	s3 =	simm.s32 @!p0 $0x1082;
	s9 =	sld [smem:$0x3FB7]  }
0x2f: {  	lr =	sadd.s32 s0, s3;
	s0 =	sld [smem:$0x3FAE]  }
0x30: {  	s3 =	sld [smem:$0x3FB1]  }
0x31: {  	[smem:$0x3FBA] =	sst s10  }
0x32: {  	s10 =	sld [smem:$0x3FB8];
	_ =	sdelay $0x3  }
0x33: {  	p0 =	seq.s32 s10, $0x1;
	s10 =	sld [smem:$0x3FBA];
	_ =	sdelay $0x3  }
0x34: {  	[smem:$0x3FBA] =	sst s10  }
0x35: {  	s10 =	sld [smem:$0x3FB9];
	_ =	sdelay $0x3  }
0x36: {  	p1 =	seq.s32 s10, $0x1;
	s10 =	sld [smem:$0x3FBA];
	_ =	sdelay $0x3  }
0x37: {  	[smem:$0x3FBA] =	sst s10  }
0x38: {  	s10 =	sld [smem:$0x3FBB]  }
0x39: {  	_ = 	snop;
	(pc) =	sbr.ind lr, $3  }
0x3a: {  	_ = 	snop  }
0x3b: {  	_ = 	snop  }
0x3c: {  	p2 =	seq.s32 s10, $0x1;
	s10 =	sld [smem:$0x3FBA]  }
0x3d: {  	_ =	shalt  }
0x3e: {  	_ =	shalt  }
0x3f: {  	_ =	shalt  }
0x40: {  	_ =	shalt  }
0x41: {  	_ =	shalt  }
0x42: {  	_ =	shalt  }
0x43: {  	_ =	shalt  }
0x44: {  	_ =	shalt  }
0x45: {  	_ =	shalt  }
0x46: {  	_ =	shalt  }
0x47: {  	_ =	shalt  }
0x48: {  	_ =	shalt  }
0x49: {  	_ =	shalt  }
0x4a: {  	_ =	shalt  }
0x4b: {  	_ =	shalt  }
0x4c: {  	_ =	shalt  }
0x4d: {  	_ =	shalt  }
0x4e: {  	_ =	shalt  }
0x4f: {  	_ =	shalt  }
0x50: {  	_ =	shalt  }
0x51: {  	_ =	shalt  }
0x52: {  	_ =	shalt  }
0x53: {  	_ =	shalt  }
0x54: {  	_ =	shalt  }
0x55: {  	_ =	shalt  }
0x56: {  	_ =	shalt  }
0x57: {  	_ =	shalt  }
0x58: {  	_ =	shalt  }
0x59: {  	_ =	shalt  }
0x5a: {  	_ =	shalt  }
0x5b: {  	_ =	shalt  }
0x5c: {  	_ =	shalt  }
0x5d: {  	_ =	shalt  }
0x5e: {  	_ =	shalt  }
0x5f: {  	_ =	shalt  }
0x60: {  	_ =	shalt  }
0x61: {  	_ =	shalt  }
0x62: {  	_ =	shalt  }
0x63: {  	_ =	shalt  }
0x64: {  	_ =	shalt  }
0x65: {  	_ =	shalt  }
0x66: {  	_ =	shalt  }
0x67: {  	_ =	shalt  }
0x68: {  	_ =	shalt  }
0x69: {  	_ =	shalt  }
0x6a: {  	_ =	shalt  }
0x6b: {  	_ =	shalt  }
0x6c: {  	_ =	shalt  }
0x6d: {  	_ =	shalt  }
0x6e: {  	_ =	shalt  }
0x6f: {  	_ =	shalt  }
0x70: {  	_ =	shalt  }
0x71: {  	_ =	shalt  }
0x72: {  	_ =	shalt  }
0x73: {  	_ =	shalt  }
0x74: {  	_ =	shalt  }
0x75: {  	_ =	shalt  }
0x76: {  	_ =	shalt  }
0x77: {  	_ =	shalt  }
0x78: {  	_ =	shalt  }
0x79: {  	_ =	shalt  }
0x7a: {  	_ =	shalt  }
0x7b: {  	_ =	shalt  }
0x7c: {  	_ =	shalt  }
0x7d: {  	_ =	shalt  }
0x7e: {  	_ =	shalt  }
0x7f: {  	_ =	shalt  }
0x80: {  	_ =	shalt  }
0x81: {  	_ =	shalt  }
0x82: {  	_ =	shalt  }
0x83: {  	_ =	shalt  }
0x84: {  	_ =	shalt  }
0x85: {  	_ =	shalt  }
0x86: {  	_ =	shalt  }
0x87: {  	_ =	shalt  }
.Lfunc_end0:
.L_simem_size_0:
called_computation.1_lowered:
.L_overlay_start_0:
0x88: {  	s2 =	sld [smem:$0x3FD9]  }
0x89: {  	s3 =	sld [smem:$0x3FFE];
	_ =	sdelay $0x1  }
0x8a: {  	s1 =	srdreg.scid  }
0x8b: {  	s0 =	sand.u32 $0x1, s1  }
0x8c: {  	s17 =	sshll.u32 s0, $0xA;
	s2 =	sadd.s32 s3, s2  }
0x8d: {  	s2 =	sadd.s32 s2, s17  }
0x8e: {  	[smem:$0x3FC6] =	sst s2  }
0x8f: {  	_ = 	snop  }
0x90: {  	s2 =	sld [smem:$0x3FD0];
	(tm) =	ssettm $0x1  }
0x91: {  	s18 =	sld [smem:$0x3FFB];
	_ =	sdelay $0x3  }
0x92: {  	_ =	strace s18  }
0x93: {  	s3 =	sld [smem:$0x3FFC];
	_ =	sdelay $0x3  }
0x94: {  	_ =	strace s3  }
0x95: {  	s3 =	sld [smem:$0x3FFD];
	_ =	sdelay $0x3  }
0x96: {  	_ =	strace s3  }
0x97: {  	_ =	strace $0x8FFFFFFF  }
0x98: {  	s19 =	sld [smem:$0x3FDB];
	_ =	sdelay $0x1  }
0x99: {  	s4 =	simm.s32 $_scs_section_size  }
0x9a: {  	s5 =	simm.s32 $_size__tile_overlayer_lowered;
	s6 =	simm.s32 $_tile_overlayer_lowered  }
0x9b: {  	s22 =	simm.s32 $0x1BFF;
	s21 =	sshll.u32 s6, $0x1;
	s3 =	sadd.s32 s4, s19  }
0x9c: {  	s7 =	simm.s32 $0x0;
	s20 =	sshll.u32 s5, $0x1;
	s5 =	sadd.s32 s21, s3  }
0x9d: {  	[timem:s7], [sflag:s22] =	dma.local [hbm:s5], s20  }
0x9e: {  	_ =	swait.ge [sflag:s22], s20  }
0x9f: {  	s4 =	ssub.s32 $0x0, s20;
	[sflag:s22] =	ssyncset.done $0x0  }
0xa0: {  	[sflag:s22] =	ssyncadd.s32 s4;
	_ =	sdelay $0x1  }
0xa1: {  	s23 =	simm.s32 $0x1B8B  }
0xa2: {  	_ =	swait.ge [sflag:s23], $0x1  }
0xa3: {  	[sflag:s23] =	ssyncset.done $0x0  }
0xa4: {  	s25 =	simm.s32 $0x1B8E;
	s24 =	sld [smem:$0x3FFE];
	[sflag:s23] =	ssyncadd.s32 $0xFFFFFFFF  }
0xa5: {  	s26 =	simm.s32 $execute0_lowered;
	[smem:$0x3FD2] =	sst s25  }
0xa6: {  	s5 =	sshll.u32 s26, $0x1;
	_ =	strace $0x80000046;
	[dreg:$0x1] =	wrdreg $0xFFFFFFFF  }
0xa7: {  	s28 =	simm.s32 $_size_execute0_lowered;
	s3 =	sadd.s32 s3, s5;
	[dreg:$0x0] =	wrdreg $0x0  }
0xa8: {  	s5 =	sshll.u32 s28, $0x1;
	[dreg:$0x2] =	wrdreg s3  }
0xa9: {  	[dreg:$0x3] =	wrdreg s5  }
0xaa: {  	[dreg:$0x4] =	wrdreg $0xC0  }
0xab: {  	_ =	task [dreg:s7], $0x5FFFF  }
0xac: {  	[dreg:$0x1] =	wrdreg $0xFFFFFFFF  }
0xad: {  	[dreg:$0x0] =	wrdreg $0x60  }
0xae: {  	[dreg:$0x2] =	wrdreg s24  }
0xaf: {  	[dreg:$0x3] =	wrdreg s2  }
0xb0: {  	[dreg:$0x4] =	wrdreg $0x9  }
0xb1: {  	_ =	task.clear_ibuf [dreg:s7], $0x5FFFF;
	_ =	strace $0x90000046  }
0xb2: {  	s29 =	simm.s32 $0x9;
	_ =	strace $0x80000048  }
0xb3: {  	_ =	swait.ge [sflag:s29], $0x1  }
0xb4: {  	[sflag:s29] =	ssyncadd.s32 $0xFFFFFFFF  }
0xb5: {  	_ =	strace $0x90000048  }
0xb6: {  	_ =	sfence  }
0xb7: {  	s30 =	sld [smem:$0x0];
	_ =	sdelay $0x2  }
0xb8: {  	s31 =	sshll.u32 s1, $0xD;
	s1 =	sshrl.u32 s1, $0x2  }
0xb9: {  	s3 =	sand.u32 $0x4000, s31;
	s1 =	sadd.s32 s1, s30  }
0xba: {  	s0 =	sor.u32 s3, s0;
	s1 =	sshll.u32 s1, $0x11  }
0xbb: {  	s0 =	sor.u32 s1, s0  }
0xbc: {  	s0 =	sadd.s32 $0x8F2B, s0  }
0xbd: {  	[sflag:s0] =	ssyncadd.remote.s32 $0x1  }
0xbe: {  	_ =	sfence.sel $0xFFFF  }
0xbf: {  	[dreg:$0x0] =	wrdreg $0xFFFFFFFF;
	(pc) =	sbr.abs _section_cstart, $3  }
0xc0: {  	[dreg:$0x1] =	wrdreg $0xFFFFFFFF  }
0xc1: {  	_ =	task.clear_ibuf [dreg:s7], $0x2FFFF;
	_ =	strace $0x9FFFFFFF  }
0xc2: {  	(tm) =	ssettm $0x7FFFFFFF  }
0xc3: {  	_ =	shalt  }
tec
execute0_lowered:
.L_overlay_start_1:
0x0: {  	(tag) =	ssettag $0x1  }
0x1: {  	s0 =	rddreg [dreg:$0x0]  }
0x2: {  	s1 =	rddreg [dreg:$0x1];
	s3 =	simm.s32 $0x0;
	s2 =	srdreg.scid  }
0x3: {  	s5 =	stileid.u32;
	s11 =	simm.s32 $0x5;
	s12 =	simm.s32 $0x100  }
0x4: {  	s21 =	simm.s32 $0xC100;
	s13 =	simm.s32 $0x12100;
	s14 =	simm.s32 $0x12900  }
0x5: {  	s15 =	simm.s32 $0x12D00;
	s16 =	simm.s32 $0x13500;
	s17 =	simm.s32 $0x13900  }
0x6: {  	s18 =	simm.s32 $0x14100;
	s19 =	simm.s32 $0x14500;
	s20 =	simm.s32 $0x15100  }
0x7: {  	s28 =	simm.s32 $0x17500;
	s29 =	simm.s32 $0x17D00;
	s30 =	simm.s32 $0x1  }
0x8: {  	s31 =	simm.s32 $0x3;
	s10 =	simm.s32 $0x80;
	[smem:$0x7FF] =	sst s3  }
0x9: {  	s2 =	sand.u32 $0x1, s2;
	s4 =	sshll.u32 s5, $0x1;
	s5 =	smul.u32 $0xC800, s5  }
0xa: {  	s7 =	sadd.s32 $0x800, s0;
	s4 =	sor.u32 s2, s4;
	s6 =	smul.u32 $0x6400, s2  }
0xb: {  	s0 =	sadd.s32 $0x19800, s0;
	s2 =	ssub.s32 $0x2, s2;
	s4 =	smul.u32 $0x6400, s4  }
0xc: {  	_ =	strace $0x80000047;
	s8 =	sshrl.u32 s2, $0x1;
	s6 =	sadd.s32 s6, s5  }
0xd: {  	s2 =	ssub.s32 s2, s8;
	s5 =	sadd.s32 $0x100, s1;
	s4 =	sshrl.u32 s4, $0x3  }
0xe: {  	s22 =	sor.u32 $0x80, s6;
	s24 =	sor.u32 $0x100, s6;
	s6 =	sshrl.u32 s6, $0x3  }
0xf: {  	s2 =	smax.u32 s2, $0x1;
	s4 =	sadd.s32 s7, s4;
	s23 =	sshrl.u32 s22, $0x3  }
0x10: {  	[dreg:$0x4] =	wrdreg s2;
	s25 =	sshrl.u32 s24, $0x3;
	s6 =	smul.u32 $0x180, s6  }
0x11: {  	s22 =	simm.s32 $0x15900;
	s24 =	simm.s32 $0x16500;
	s9 =	smul.u32 $0x180, s23  }
.Ltmp0:
0x12: {  	[dreg:$0x3] =	wrdreg s4;
	s2 =	sadd.s32 s25, s7;
	(pc) =	sbr.rel .LBB2_1-.Ltmp0, $4  }
0x13: {  	s25 =	simm.s32 $0x16900;
	[dreg:$0x5] =	wrdreg s2;
	s26 =	sadd.s32 s9, s0  }
0x14: {  	v2 =	vlaneseq.u32;
	s9 =	sadd.s32 s23, s7;
	s0 =	sadd.s32 s6, s0;
	s7 =	simm.s32 $0x14D00  }
0x15: {  	vm0 =	vmmov $0xffff;
	vm1 =	vmmov $0xff;
	v1 =	vshrl.u32 v2, $0x3;
	s23 =	simm.s32 $0x15D00;
	s6 =	simm.s32 $0x0;
	[dreg:$0x6] =	wrdreg s26  }
0x16: {  	v0 =	vand.u32 $0x7, v2;
	v2 =	vor.u32 $0x8, v2;
	v1 =	vmul.u32 $0x8, v1;
	[dreg:$0x7] =	wrdreg s0;
	s26 =	simm.s32 $0x17100;
	s0 =	simm.s32 $0x2  }
.LBB2_5:
0x17: {  	s4 =	simm.s32 $0x4  }
0x18: {  	_ =	swait.ge [sflag:s4], $0xC000  }
0x19: {  	s6 =	rddreg [dreg:$0x8]  }
0x1a: {  	s2 =	rddreg [dreg:$0x4];
	s6 =	sadd.s32 $0x1, s6  }
0x1b: {  	p0 =	sne.s32 s6, s2  }
.Ltmp1:
0x1c: {  	_ = 	snop;
	(pc) =	sbr.rel @!p0 .LBB2_6-.Ltmp1, $3  }
0x1d: {  	_ =	sdelay $0x1  }
0x1e: {  	[sflag:s4] =	ssyncset.done $0x0  }
0x1f: {  	[sflag:s4] =	ssyncadd.s32 $0xFFFF4000  }
.LBB2_1:
0x20: {  	[dreg:$0x8] =	wrdreg s6  }
0x21: {  	s2 =	rddreg [dreg:$0x3]  }
0x22: {  	[tilespmem:s3], [sflag:$0x5] =	stream.linear.gather [hbm4b:s2+s3], $0x80, $0x38;
	[tilespmem:$0x18100] =	vst v63  }
0x23: {  	_ =	swait.ge [sflag:s11], $0x80  }
0x24: {  	[sflag:s11] =	ssyncset.done $0x0  }
0x25: {  	[sflag:s11] =	ssyncadd.s32 $0xFFFFFF80  }
0x26: {  	v3 =	vld [tilespmem:$0x0];
	_ =	sdelay $0x4  }
0x27: {  	v4 =	vshrl.u32 v3, $0x3  }
0x28: {  	v4 =	vmul.u32 $0x18, v4  }
0x29: {  	v3 =	vand.u32 $0x7, v3  }
0x2a: {  	v3 =	vor.u32 v3, v4  }
0x2b: {  	v4 =	vperm.xlane v3, v0;
	_ =	sdelay $0x1  }
0x2c: {  	v4 =	vadd.s32 v1, v4;
	_ =	sdelay $0x1  }
0x2d: {  	v3 =	vperm.xlane v3, v2;
	_ =	sdelay $0x1  }
0x2e: {  	v3 =	vadd.s32 v1, v3  }
0x2f: {  	[tilespmem:s12], [sflag:$0x1] =	stream.indirect_vreg.gather [hbm4b:s1+s3], $0x80, v4, vm0, $0xb8;
	[tilespmem:$0x18100] =	vst v63  }
0x30: {  	s8 =	simm.s32 $0x900  }
0x31: {  	[tilespmem:s8], [sflag:$0x1] =	stream.indirect_vreg.gather [hbm4b:s5+s3], $0x80, v4, vm1, $0xb8;
	[tilespmem:$0x18100] =	vst v63  }
0x32: {  	s4 =	simm.s32 $0xD00  }
0x33: {  	[tilespmem:s4], [sflag:$0x1] =	stream.indirect_vreg.gather [hbm4b:s1+s3], $0x80, v3, vm0, $0xb8;
	[tilespmem:$0x18100] =	vst v63  }
0x34: {  	s6 =	simm.s32 $0x1500  }
0x35: {  	[tilespmem:s6], [sflag:$0x1] =	stream.indirect_vreg.gather [hbm4b:s5+s3], $0x80, v3, vm1, $0xb8;
	[tilespmem:$0x18100] =	vst v63  }
0x36: {  	v3 =	vld [tilespmem:$0x10];
	_ =	sdelay $0x4  }
0x37: {  	v57 =	vshrl.u32 v3, $0x3  }
0x38: {  	v4 =	vmul.u32 $0x18, v57  }
0x39: {  	v3 =	vand.u32 $0x7, v3  }
0x3a: {  	v3 =	vor.u32 v3, v4  }
0x3b: {  	v4 =	vperm.xlane v3, v0;
	_ =	sdelay $0x1  }
0x3c: {  	v4 =	vadd.s32 v1, v4;
	_ =	sdelay $0x1  }
0x3d: {  	v3 =	vperm.xlane v3, v2;
	_ =	sdelay $0x1  }
0x3e: {  	s8 =	simm.s32 $0x1900;
	v3 =	vadd.s32 v1, v3  }
0x3f: {  	[tilespmem:s8], [sflag:$0x1] =	stream.indirect_vreg.gather [hbm4b:s1+s3], $0x80, v4, vm0, $0xb8;
	[tilespmem:$0x18100] =	vst v63  }
0x40: {  	s4 =	simm.s32 $0x2100  }
0x41: {  	[tilespmem:s4], [sflag:$0x1] =	stream.indirect_vreg.gather [hbm4b:s5+s3], $0x80, v4, vm1, $0xb8;
	[tilespmem:$0x18100] =	vst v63  }
0x42: {  	s6 =	simm.s32 $0x2500  }
0x43: {  	[tilespmem:s6], [sflag:$0x1] =	stream.indirect_vreg.gather [hbm4b:s1+s3], $0x80, v3, vm0, $0xb8;
	[tilespmem:$0x18100] =	vst v63  }
0x44: {  	s8 =	simm.s32 $0x2D00  }
0x45: {  	[tilespmem:s8], [sflag:$0x1] =	stream.indirect_vreg.gather [hbm4b:s5+s3], $0x80, v3, vm1, $0xb8;
	[tilespmem:$0x18100] =	vst v63  }
0x46: {  	v3 =	vld [tilespmem:$0x20];
	_ =	sdelay $0x4  }
0x47: {  	v58 =	vshrl.u32 v3, $0x3  }
0x48: {  	v4 =	vmul.u32 $0x18, v58  }
0x49: {  	v3 =	vand.u32 $0x7, v3  }
0x4a: {  	v3 =	vor.u32 v3, v4  }
0x4b: {  	v4 =	vperm.xlane v3, v0;
	_ =	sdelay $0x1  }
0x4c: {  	v4 =	vadd.s32 v1, v4;
	_ =	sdelay $0x1  }
0x4d: {  	v3 =	vperm.xlane v3, v2;
	_ =	sdelay $0x1  }
0x4e: {  	s4 =	simm.s32 $0x3100;
	v3 =	vadd.s32 v1, v3  }
0x4f: {  	[tilespmem:s4], [sflag:$0x1] =	stream.indirect_vreg.gather [hbm4b:s1+s3], $0x80, v4, vm0, $0xb8;
	[tilespmem:$0x18100] =	vst v63  }
0x50: {  	s6 =	simm.s32 $0x3900  }
0x51: {  	[tilespmem:s6], [sflag:$0x1] =	stream.indirect_vreg.gather [hbm4b:s5+s3], $0x80, v4, vm1, $0xb8;
	[tilespmem:$0x18100] =	vst v63  }
0x52: {  	s8 =	simm.s32 $0x3D00  }
0x53: {  	[tilespmem:s8], [sflag:$0x1] =	stream.indirect_vreg.gather [hbm4b:s1+s3], $0x80, v3, vm0, $0xb8;
	[tilespmem:$0x18100] =	vst v63  }
0x54: {  	s4 =	simm.s32 $0x4500  }
0x55: {  	[tilespmem:s4], [sflag:$0x1] =	stream.indirect_vreg.gather [hbm4b:s5+s3], $0x80, v3, vm1, $0xb8;
	[tilespmem:$0x18100] =	vst v63  }
0x56: {  	v3 =	vld [tilespmem:$0x30];
	_ =	sdelay $0x4  }
0x57: {  	v59 =	vshrl.u32 v3, $0x3  }
0x58: {  	v4 =	vmul.u32 $0x18, v59  }
0x59: {  	v3 =	vand.u32 $0x7, v3  }
0x5a: {  	v3 =	vor.u32 v3, v4  }
0x5b: {  	v4 =	vperm.xlane v3, v0;
	_ =	sdelay $0x1  }
0x5c: {  	v4 =	vadd.s32 v1, v4;
	_ =	sdelay $0x1  }
0x5d: {  	v3 =	vperm.xlane v3, v2;
	_ =	sdelay $0x1  }
0x5e: {  	s6 =	simm.s32 $0x4900;
	v3 =	vadd.s32 v1, v3  }
0x5f: {  	[tilespmem:s6], [sflag:$0x1] =	stream.indirect_vreg.gather [hbm4b:s1+s3], $0x80, v4, vm0, $0xb8;
	[tilespmem:$0x18100] =	vst v63  }
0x60: {  	s8 =	simm.s32 $0x5100  }
0x61: {  	[tilespmem:s8], [sflag:$0x1] =	stream.indirect_vreg.gather [hbm4b:s5+s3], $0x80, v4, vm1, $0xb8;
	[tilespmem:$0x18100] =	vst v63  }
0x62: {  	s4 =	simm.s32 $0x5500  }
0x63: {  	[tilespmem:s4], [sflag:$0x1] =	stream.indirect_vreg.gather [hbm4b:s1+s3], $0x80, v3, vm0, $0xb8;
	[tilespmem:$0x18100] =	vst v63  }
0x64: {  	s6 =	simm.s32 $0x5D00  }
0x65: {  	[tilespmem:s6], [sflag:$0x1] =	stream.indirect_vreg.gather [hbm4b:s5+s3], $0x80, v3, vm1, $0xb8;
	[tilespmem:$0x18100] =	vst v63  }
0x66: {  	v3 =	vld [tilespmem:$0x40];
	_ =	sdelay $0x4  }
0x67: {  	v60 =	vshrl.u32 v3, $0x3  }
0x68: {  	v4 =	vmul.u32 $0x18, v60  }
0x69: {  	v3 =	vand.u32 $0x7, v3  }
0x6a: {  	v3 =	vor.u32 v3, v4  }
0x6b: {  	v4 =	vperm.xlane v3, v0;
	_ =	sdelay $0x1  }
0x6c: {  	v4 =	vadd.s32 v1, v4;
	_ =	sdelay $0x1  }
0x6d: {  	v3 =	vperm.xlane v3, v2;
	_ =	sdelay $0x1  }
0x6e: {  	s8 =	simm.s32 $0x6100;
	v3 =	vadd.s32 v1, v3  }
0x6f: {  	[tilespmem:s8], [sflag:$0x1] =	stream.indirect_vreg.gather [hbm4b:s1+s3], $0x80, v4, vm0, $0xb8;
	[tilespmem:$0x18100] =	vst v63  }
0x70: {  	s4 =	simm.s32 $0x6900  }
0x71: {  	[tilespmem:s4], [sflag:$0x1] =	stream.indirect_vreg.gather [hbm4b:s5+s3], $0x80, v4, vm1, $0xb8;
	[tilespmem:$0x18100] =	vst v63  }
0x72: {  	s6 =	simm.s32 $0x6D00  }
0x73: {  	[tilespmem:s6], [sflag:$0x1] =	stream.indirect_vreg.gather [hbm4b:s1+s3], $0x80, v3, vm0, $0xb8;
	[tilespmem:$0x18100] =	vst v63  }
0x74: {  	s8 =	simm.s32 $0x7500  }
0x75: {  	[tilespmem:s8], [sflag:$0x1] =	stream.indirect_vreg.gather [hbm4b:s5+s3], $0x80, v3, vm1, $0xb8;
	[tilespmem:$0x18100] =	vst v63  }
0x76: {  	v3 =	vld [tilespmem:$0x50];
	_ =	sdelay $0x4  }
0x77: {  	v61 =	vshrl.u32 v3, $0x3  }
0x78: {  	v4 =	vmul.u32 $0x18, v61  }
0x79: {  	v3 =	vand.u32 $0x7, v3  }
0x7a: {  	v3 =	vor.u32 v3, v4  }
0x7b: {  	v4 =	vperm.xlane v3, v0;
	_ =	sdelay $0x1  }
0x7c: {  	v4 =	vadd.s32 v1, v4;
	_ =	sdelay $0x1  }
0x7d: {  	v3 =	vperm.xlane v3, v2;
	_ =	sdelay $0x1  }
0x7e: {  	s4 =	simm.s32 $0x7900;
	v3 =	vadd.s32 v1, v3  }
0x7f: {  	[tilespmem:s4], [sflag:$0x1] =	stream.indirect_vreg.gather [hbm4b:s1+s3], $0x80, v4, vm0, $0xb8;
	[tilespmem:$0x18100] =	vst v63  }
0x80: {  	s6 =	simm.s32 $0x8100  }
0x81: {  	[tilespmem:s6], [sflag:$0x1] =	stream.indirect_vreg.gather [hbm4b:s5+s3], $0x80, v4, vm1, $0xb8;
	[tilespmem:$0x18100] =	vst v63  }
0x82: {  	s8 =	simm.s32 $0x8500  }
0x83: {  	[tilespmem:s8], [sflag:$0x1] =	stream.indirect_vreg.gather [hbm4b:s1+s3], $0x80, v3, vm0, $0xb8;
	[tilespmem:$0x18100] =	vst v63  }
0x84: {  	s4 =	simm.s32 $0x8D00  }
0x85: {  	[tilespmem:s4], [sflag:$0x1] =	stream.indirect_vreg.gather [hbm4b:s5+s3], $0x80, v3, vm1, $0xb8;
	[tilespmem:$0x18100] =	vst v63  }
0x86: {  	v3 =	vld [tilespmem:$0x60];
	_ =	sdelay $0x4  }
0x87: {  	v62 =	vshrl.u32 v3, $0x3  }
0x88: {  	v4 =	vmul.u32 $0x18, v62  }
0x89: {  	v3 =	vand.u32 $0x7, v3  }
0x8a: {  	v3 =	vor.u32 v3, v4  }
0x8b: {  	v4 =	vperm.xlane v3, v0;
	_ =	sdelay $0x1  }
0x8c: {  	v4 =	vadd.s32 v1, v4;
	_ =	sdelay $0x1  }
0x8d: {  	v3 =	vperm.xlane v3, v2;
	_ =	sdelay $0x1  }
0x8e: {  	s6 =	simm.s32 $0x9100;
	v3 =	vadd.s32 v1, v3  }
0x8f: {  	[tilespmem:s6], [sflag:$0x1] =	stream.indirect_vreg.gather [hbm4b:s1+s3], $0x80, v4, vm0, $0xb8;
	[tilespmem:$0x18100] =	vst v63  }
0x90: {  	s8 =	simm.s32 $0x9900  }
0x91: {  	[tilespmem:s8], [sflag:$0x1] =	stream.indirect_vreg.gather [hbm4b:s5+s3], $0x80, v4, vm1, $0xb8;
	[tilespmem:$0x18100] =	vst v63  }
0x92: {  	s4 =	simm.s32 $0x9D00  }
0x93: {  	[tilespmem:s4], [sflag:$0x1] =	stream.indirect_vreg.gather [hbm4b:s1+s3], $0x80, v3, vm0, $0xb8;
	[tilespmem:$0x18100] =	vst v63  }
0x94: {  	s6 =	simm.s32 $0xA500  }
0x95: {  	[tilespmem:s6], [sflag:$0x1] =	stream.indirect_vreg.gather [hbm4b:s5+s3], $0x80, v3, vm1, $0xb8;
	[tilespmem:$0x18100] =	vst v63  }
0x96: {  	v3 =	vld [tilespmem:$0x70];
	_ =	sdelay $0x4  }
0x97: {  	v63 =	vshrl.u32 v3, $0x3  }
0x98: {  	v4 =	vmul.u32 $0x18, v63  }
0x99: {  	v3 =	vand.u32 $0x7, v3  }
0x9a: {  	v3 =	vor.u32 v3, v4  }
0x9b: {  	v4 =	vperm.xlane v3, v0;
	_ =	sdelay $0x1  }
0x9c: {  	v4 =	vadd.s32 v1, v4;
	_ =	sdelay $0x2  }
0x9d: {  	v3 =	vperm.xlane v3, v2  }
0x9e: {  	s8 =	simm.s32 $0xA900  }
0x9f: {  	v3 =	vadd.s32 v1, v3;
	[tilespmem:s8], [sflag:$0x1] =	stream.indirect_vreg.gather [hbm4b:s1+s3], $0x80, v4, vm0, $0xb8;
	[tilespmem:$0x18100] =	vst v63  }
0xa0: {  	s4 =	simm.s32 $0xB100  }
0xa1: {  	[tilespmem:s4], [sflag:$0x1] =	stream.indirect_vreg.gather [hbm4b:s5+s3], $0x80, v4, vm1, $0xb8;
	[tilespmem:$0x18100] =	vst v63  }
.Ltmp2:
0xa2: {  	_ = 	snop;
	(pc) =	sbr.rel .LBB2_2-.Ltmp2, $4  }
0xa3: {  	s2 =	rddreg [dreg:$0x7];
	s6 =	simm.s32 $0xB500  }
0xa4: {  	[tilespmem:s6], [sflag:$0x1] =	stream.indirect_vreg.gather [hbm4b:s1+s3], $0x80, v3, vm0, $0xb8;
	[tilespmem:$0x18100] =	vst v63  }
0xa5: {  	s8 =	simm.s32 $0xBD00;
	s4 =	rddreg [dreg:$0x6];
	s6 =	simm.s32 $0x0  }
0xa6: {  	[tilespmem:s8], [sflag:$0x1] =	stream.indirect_vreg.gather [hbm4b:s5+s3], $0x80, v3, vm1, $0xb8;
	[tilespmem:$0x18100] =	vst v63  }
.LBB2_4:
0xa7: {  	s6 =	sadd.s32 $0x20, s6  }
0xa8: {  	p0 =	sne.s32 s6, $0xC80  }
.Ltmp3:
0xa9: {  	_ =	swait.ge [sflag:s0], $0xC000;
	(pc) =	sbr.rel @!p0 .LBB2_5-.Ltmp3, $4  }
0xaa: {  	[sflag:s0] =	ssyncset.done $0x0  }
0xab: {  	[sflag:s0] =	ssyncadd.s32 $0xFFFF4000  }
0xac: {  	[hbm4b:s4+s3] =	stream.linear.scatter [tilespmem:s21], [sflag:$0x4], $0xC000, $0x38;
	[tilespmem:$0x18100] =	vst v63  }
0xad: {  	s2 =	sadd.s32 $0x3000, s2;
	s4 =	sadd.s32 $0x3000, s4  }
.LBB2_2:
0xae: {  	p0 =	seq.s32 s6, $0x0  }
0xaf: {  	s8 =	simm.s32 @!p0 $0x4  }
0xb0: {  	_ =	swait.ge @!p0 [sflag:s8], $0xC000  }
0xb1: {  	[sflag:s8] =	ssyncset.done @!p0 $0x0  }
0xb2: {  	[sflag:s8] =	ssyncadd.s32 @!p0 $0xFFFF4000;
	s8 =	sadd.s32 s6, s9  }
0xb3: {  	[tilespmem:s10], [sflag:$0x5] =	stream.linear.gather [hbm4b:s8+s3], $0x80, $0x38;
	[tilespmem:$0x18100] =	vst v63  }
0xb4: {  	_ =	swait.ge [sflag:s11], $0x80  }
0xb5: {  	[sflag:s11] =	ssyncset.done $0x0  }
0xb6: {  	[sflag:s11] =	ssyncadd.s32 $0xFFFFFF80  }
0xb7: {  	v3 =	vld [tilespmem:$0x80];
	_ =	sdelay $0x4  }
0xb8: {  	v4 =	vshrl.u32 v3, $0x3  }
0xb9: {  	v4 =	vmul.u32 $0x18, v4  }
0xba: {  	v3 =	vand.u32 $0x7, v3  }
0xbb: {  	v3 =	vor.u32 v3, v4  }
0xbc: {  	v4 =	vperm.xlane v3, v0;
	_ =	sdelay $0x1  }
0xbd: {  	v4 =	vadd.s32 v1, v4;
	_ =	sdelay $0x1  }
0xbe: {  	v3 =	vperm.xlane v3, v2;
	_ =	sdelay $0x1  }
0xbf: {  	v3 =	vadd.s32 v1, v3  }
0xc0: {  	[tilespmem:s21], [sflag:$0x2] =	stream.indirect_vreg.gather [hbm4b:s1+s3], $0x80, v4, vm0, $0xb8;
	[tilespmem:$0x18100] =	vst v63  }
0xc1: {  	s8 =	simm.s32 $0xC900  }
0xc2: {  	[tilespmem:s8], [sflag:$0x2] =	stream.indirect_vreg.gather [hbm4b:s5+s3], $0x80, v4, vm1, $0xb8;
	[tilespmem:$0x18100] =	vst v63  }
0xc3: {  	s8 =	simm.s32 $0xCD00  }
0xc4: {  	[tilespmem:s8], [sflag:$0x2] =	stream.indirect_vreg.gather [hbm4b:s1+s3], $0x80, v3, vm0, $0xb8;
	[tilespmem:$0x18100] =	vst v63  }
0xc5: {  	s8 =	simm.s32 $0xD500  }
0xc6: {  	[tilespmem:s8], [sflag:$0x2] =	stream.indirect_vreg.gather [hbm4b:s5+s3], $0x80, v3, vm1, $0xb8;
	[tilespmem:$0x18100] =	vst v63  }
0xc7: {  	v3 =	vld [tilespmem:$0x90];
	_ =	sdelay $0x4  }
0xc8: {  	v57 =	vshrl.u32 v3, $0x3  }
0xc9: {  	v4 =	vmul.u32 $0x18, v57  }
0xca: {  	v3 =	vand.u32 $0x7, v3  }
0xcb: {  	v3 =	vor.u32 v3, v4  }
0xcc: {  	v4 =	vperm.xlane v3, v0;
	_ =	sdelay $0x1  }
0xcd: {  	v4 =	vadd.s32 v1, v4;
	_ =	sdelay $0x1  }
0xce: {  	v3 =	vperm.xlane v3, v2;
	_ =	sdelay $0x1  }
0xcf: {  	s8 =	simm.s32 $0xD900;
	v3 =	vadd.s32 v1, v3  }
0xd0: {  	[tilespmem:s8], [sflag:$0x2] =	stream.indirect_vreg.gather [hbm4b:s1+s3], $0x80, v4, vm0, $0xb8;
	[tilespmem:$0x18100] =	vst v63  }
0xd1: {  	s8 =	simm.s32 $0xE100  }
0xd2: {  	[tilespmem:s8], [sflag:$0x2] =	stream.indirect_vreg.gather [hbm4b:s5+s3], $0x80, v4, vm1, $0xb8;
	[tilespmem:$0x18100] =	vst v63  }
0xd3: {  	s8 =	simm.s32 $0xE500  }
0xd4: {  	[tilespmem:s8], [sflag:$0x2] =	stream.indirect_vreg.gather [hbm4b:s1+s3], $0x80, v3, vm0, $0xb8;
	[tilespmem:$0x18100] =	vst v63  }
0xd5: {  	s8 =	simm.s32 $0xED00  }
0xd6: {  	[tilespmem:s8], [sflag:$0x2] =	stream.indirect_vreg.gather [hbm4b:s5+s3], $0x80, v3, vm1, $0xb8;
	[tilespmem:$0x18100] =	vst v63  }
0xd7: {  	v3 =	vld [tilespmem:$0xA0];
	_ =	sdelay $0x4  }
0xd8: {  	v58 =	vshrl.u32 v3, $0x3  }
0xd9: {  	v4 =	vmul.u32 $0x18, v58  }
0xda: {  	v3 =	vand.u32 $0x7, v3  }
0xdb: {  	v3 =	vor.u32 v3, v4  }
0xdc: {  	v4 =	vperm.xlane v3, v0;
	_ =	sdelay $0x1  }
0xdd: {  	v4 =	vadd.s32 v1, v4;
	_ =	sdelay $0x1  }
0xde: {  	v3 =	vperm.xlane v3, v2;
	_ =	sdelay $0x1  }
0xdf: {  	s8 =	simm.s32 $0xF100;
	v3 =	vadd.s32 v1, v3  }
0xe0: {  	[tilespmem:s8], [sflag:$0x2] =	stream.indirect_vreg.gather [hbm4b:s1+s3], $0x80, v4, vm0, $0xb8;
	[tilespmem:$0x18100] =	vst v63  }
0xe1: {  	s8 =	simm.s32 $0xF900  }
0xe2: {  	[tilespmem:s8], [sflag:$0x2] =	stream.indirect_vreg.gather [hbm4b:s5+s3], $0x80, v4, vm1, $0xb8;
	[tilespmem:$0x18100] =	vst v63  }
0xe3: {  	s8 =	simm.s32 $0xFD00  }
0xe4: {  	[tilespmem:s8], [sflag:$0x2] =	stream.indirect_vreg.gather [hbm4b:s1+s3], $0x80, v3, vm0, $0xb8;
	[tilespmem:$0x18100] =	vst v63  }
0xe5: {  	s8 =	simm.s32 $0x10500  }
0xe6: {  	[tilespmem:s8], [sflag:$0x2] =	stream.indirect_vreg.gather [hbm4b:s5+s3], $0x80, v3, vm1, $0xb8;
	[tilespmem:$0x18100] =	vst v63  }
0xe7: {  	v3 =	vld [tilespmem:$0xB0];
	_ =	sdelay $0x4  }
0xe8: {  	v59 =	vshrl.u32 v3, $0x3  }
0xe9: {  	v4 =	vmul.u32 $0x18, v59  }
0xea: {  	v3 =	vand.u32 $0x7, v3  }
0xeb: {  	v3 =	vor.u32 v3, v4  }
0xec: {  	v4 =	vperm.xlane v3, v0;
	_ =	sdelay $0x1  }
0xed: {  	v4 =	vadd.s32 v1, v4;
	_ =	sdelay $0x1  }
0xee: {  	v3 =	vperm.xlane v3, v2;
	_ =	sdelay $0x1  }
0xef: {  	s8 =	simm.s32 $0x10900;
	v3 =	vadd.s32 v1, v3  }
0xf0: {  	[tilespmem:s8], [sflag:$0x2] =	stream.indirect_vreg.gather [hbm4b:s1+s3], $0x80, v4, vm0, $0xb8;
	[tilespmem:$0x18100] =	vst v63  }
0xf1: {  	s8 =	simm.s32 $0x11100  }
0xf2: {  	[tilespmem:s8], [sflag:$0x2] =	stream.indirect_vreg.gather [hbm4b:s5+s3], $0x80, v4, vm1, $0xb8;
	[tilespmem:$0x18100] =	vst v63  }
0xf3: {  	s8 =	simm.s32 $0x11500  }
0xf4: {  	[tilespmem:s8], [sflag:$0x2] =	stream.indirect_vreg.gather [hbm4b:s1+s3], $0x80, v3, vm0, $0xb8;
	[tilespmem:$0x18100] =	vst v63  }
0xf5: {  	s8 =	simm.s32 $0x11D00  }
0xf6: {  	[tilespmem:s8], [sflag:$0x2] =	stream.indirect_vreg.gather [hbm4b:s5+s3], $0x80, v3, vm1, $0xb8;
	[tilespmem:$0x18100] =	vst v63  }
0xf7: {  	v3 =	vld [tilespmem:$0xC0];
	_ =	sdelay $0x4  }
0xf8: {  	v60 =	vshrl.u32 v3, $0x3  }
0xf9: {  	v4 =	vmul.u32 $0x18, v60  }
0xfa: {  	v3 =	vand.u32 $0x7, v3  }
0xfb: {  	v3 =	vor.u32 v3, v4  }
0xfc: {  	v4 =	vperm.xlane v3, v0;
	_ =	sdelay $0x1  }
0xfd: {  	v4 =	vadd.s32 v1, v4;
	_ =	sdelay $0x1  }
0xfe: {  	v3 =	vperm.xlane v3, v2;
	_ =	sdelay $0x1  }
0xff: {  	v3 =	vadd.s32 v1, v3  }
0x100: {  	[tilespmem:s13], [sflag:$0x2] =	stream.indirect_vreg.gather [hbm4b:s1+s3], $0x80, v4, vm0, $0xb8;
	[tilespmem:$0x18100] =	vst v63  }
0x101: {  	_ = 	snop  }
0x102: {  	[tilespmem:s14], [sflag:$0x2] =	stream.indirect_vreg.gather [hbm4b:s5+s3], $0x80, v4, vm1, $0xb8;
	[tilespmem:$0x18100] =	vst v63  }
0x103: {  	_ = 	snop  }
0x104: {  	[tilespmem:s15], [sflag:$0x2] =	stream.indirect_vreg.gather [hbm4b:s1+s3], $0x80, v3, vm0, $0xb8;
	[tilespmem:$0x18100] =	vst v63  }
0x105: {  	_ = 	snop  }
0x106: {  	[tilespmem:s16], [sflag:$0x2] =	stream.indirect_vreg.gather [hbm4b:s5+s3], $0x80, v3, vm1, $0xb8;
	[tilespmem:$0x18100] =	vst v63  }
0x107: {  	v3 =	vld [tilespmem:$0xD0];
	_ =	sdelay $0x4  }
0x108: {  	v61 =	vshrl.u32 v3, $0x3  }
0x109: {  	v4 =	vmul.u32 $0x18, v61  }
0x10a: {  	v3 =	vand.u32 $0x7, v3  }
0x10b: {  	v3 =	vor.u32 v3, v4  }
0x10c: {  	v4 =	vperm.xlane v3, v0;
	_ =	sdelay $0x1  }
0x10d: {  	v4 =	vadd.s32 v1, v4;
	_ =	sdelay $0x1  }
0x10e: {  	v3 =	vperm.xlane v3, v2;
	_ =	sdelay $0x1  }
0x10f: {  	v3 =	vadd.s32 v1, v3  }
0x110: {  	[tilespmem:s17], [sflag:$0x2] =	stream.indirect_vreg.gather [hbm4b:s1+s3], $0x80, v4, vm0, $0xb8;
	[tilespmem:$0x18100] =	vst v63  }
0x111: {  	_ = 	snop  }
0x112: {  	[tilespmem:s18], [sflag:$0x2] =	stream.indirect_vreg.gather [hbm4b:s5+s3], $0x80, v4, vm1, $0xb8;
	[tilespmem:$0x18100] =	vst v63  }
0x113: {  	_ = 	snop  }
0x114: {  	[tilespmem:s19], [sflag:$0x2] =	stream.indirect_vreg.gather [hbm4b:s1+s3], $0x80, v3, vm0, $0xb8;
	[tilespmem:$0x18100] =	vst v63  }
0x115: {  	_ = 	snop  }
0x116: {  	[tilespmem:s7], [sflag:$0x2] =	stream.indirect_vreg.gather [hbm4b:s5+s3], $0x80, v3, vm1, $0xb8;
	[tilespmem:$0x18100] =	vst v63  }
0x117: {  	v3 =	vld [tilespmem:$0xE0];
	_ =	sdelay $0x4  }
0x118: {  	v62 =	vshrl.u32 v3, $0x3  }
0x119: {  	v4 =	vmul.u32 $0x18, v62  }
0x11a: {  	v3 =	vand.u32 $0x7, v3  }
0x11b: {  	v3 =	vor.u32 v3, v4  }
0x11c: {  	v4 =	vperm.xlane v3, v0;
	_ =	sdelay $0x1  }
0x11d: {  	v4 =	vadd.s32 v1, v4;
	_ =	sdelay $0x1  }
0x11e: {  	v3 =	vperm.xlane v3, v2;
	_ =	sdelay $0x1  }
0x11f: {  	v3 =	vadd.s32 v1, v3  }
0x120: {  	[tilespmem:s20], [sflag:$0x2] =	stream.indirect_vreg.gather [hbm4b:s1+s3], $0x80, v4, vm0, $0xb8;
	[tilespmem:$0x18100] =	vst v63  }
0x121: {  	_ = 	snop  }
0x122: {  	[tilespmem:s22], [sflag:$0x2] =	stream.indirect_vreg.gather [hbm4b:s5+s3], $0x80, v4, vm1, $0xb8;
	[tilespmem:$0x18100] =	vst v63  }
0x123: {  	_ = 	snop  }
0x124: {  	[tilespmem:s23], [sflag:$0x2] =	stream.indirect_vreg.gather [hbm4b:s1+s3], $0x80, v3, vm0, $0xb8;
	[tilespmem:$0x18100] =	vst v63  }
0x125: {  	_ = 	snop  }
0x126: {  	[tilespmem:s24], [sflag:$0x2] =	stream.indirect_vreg.gather [hbm4b:s5+s3], $0x80, v3, vm1, $0xb8;
	[tilespmem:$0x18100] =	vst v63  }
0x127: {  	v3 =	vld [tilespmem:$0xF0];
	_ =	sdelay $0x4  }
0x128: {  	v63 =	vshrl.u32 v3, $0x3  }
0x129: {  	v4 =	vmul.u32 $0x18, v63  }
0x12a: {  	v3 =	vand.u32 $0x7, v3  }
0x12b: {  	v3 =	vor.u32 v3, v4  }
0x12c: {  	v4 =	vperm.xlane v3, v0;
	_ =	sdelay $0x1  }
0x12d: {  	v4 =	vadd.s32 v1, v4;
	_ =	sdelay $0x1  }
0x12e: {  	v3 =	vperm.xlane v3, v2;
	_ =	sdelay $0x1  }
0x12f: {  	v3 =	vadd.s32 v1, v3  }
0x130: {  	[tilespmem:s25], [sflag:$0x2] =	stream.indirect_vreg.gather [hbm4b:s1+s3], $0x80, v4, vm0, $0xb8;
	[tilespmem:$0x18100] =	vst v63  }
0x131: {  	_ = 	snop  }
0x132: {  	[tilespmem:s26], [sflag:$0x2] =	stream.indirect_vreg.gather [hbm4b:s5+s3], $0x80, v4, vm1, $0xb8;
	[tilespmem:$0x18100] =	vst v63  }
0x133: {  	_ = 	snop  }
0x134: {  	[tilespmem:s28], [sflag:$0x2] =	stream.indirect_vreg.gather [hbm4b:s1+s3], $0x80, v3, vm0, $0xb8;
	[tilespmem:$0x18100] =	vst v63  }
0x135: {  	_ = 	snop  }
0x136: {  	[tilespmem:s29], [sflag:$0x2] =	stream.indirect_vreg.gather [hbm4b:s5+s3], $0x80, v3, vm1, $0xb8;
	[tilespmem:$0x18100] =	vst v63  }
0x137: {  	_ =	swait.ge [sflag:s30], $0xC000  }
0x138: {  	p0 =	seq.s32 s6, $0xC60;
	[sflag:s30] =	ssyncset.done $0x0  }
.Ltmp4:
0x139: {  	[sflag:s30] =	ssyncadd.s32 $0xFFFF4000;
	(pc) =	sbr.rel @p0 .LBB2_4-.Ltmp4, $4  }
0x13a: {  	[hbm4b:s2+s3] =	stream.linear.scatter [tilespmem:s12], [sflag:$0x3], $0xC000, $0x38;
	[tilespmem:$0x18100] =	vst v63  }
0x13b: {  	_ =	swait.ge [sflag:s31], $0xC000  }
0x13c: {  	[sflag:s31] =	ssyncset.done $0x0  }
0x13d: {  	[sflag:s31] =	ssyncadd.s32 $0xFFFF4000  }
0x13e: {  	s8 =	rddreg [dreg:$0x5]  }
0x13f: {  	s8 =	sadd.s32 s6, s8  }
0x140: {  	[tilespmem:s3], [sflag:$0x5] =	stream.linear.gather [hbm4b:s8+s3], $0x80, $0x38;
	[tilespmem:$0x18100] =	vst v63  }
0x141: {  	_ =	swait.ge [sflag:s11], $0x80  }
0x142: {  	[sflag:s11] =	ssyncset.done $0x0  }
0x143: {  	[sflag:s11] =	ssyncadd.s32 $0xFFFFFF80  }
0x144: {  	v3 =	vld [tilespmem:$0x0];
	_ =	sdelay $0x4  }
0x145: {  	v4 =	vshrl.u32 v3, $0x3  }
0x146: {  	v4 =	vmul.u32 $0x18, v4  }
0x147: {  	v3 =	vand.u32 $0x7, v3  }
0x148: {  	v3 =	vor.u32 v3, v4  }
0x149: {  	v4 =	vperm.xlane v3, v0;
	_ =	sdelay $0x1  }
0x14a: {  	v4 =	vadd.s32 v1, v4;
	_ =	sdelay $0x1  }
0x14b: {  	v3 =	vperm.xlane v3, v2;
	_ =	sdelay $0x1  }
0x14c: {  	v3 =	vadd.s32 v1, v3  }
0x14d: {  	[tilespmem:s12], [sflag:$0x1] =	stream.indirect_vreg.gather [hbm4b:s1+s3], $0x80, v4, vm0, $0xb8;
	[tilespmem:$0x18100] =	vst v63  }
0x14e: {  	s8 =	simm.s32 $0x900  }
0x14f: {  	[tilespmem:s8], [sflag:$0x1] =	stream.indirect_vreg.gather [hbm4b:s5+s3], $0x80, v4, vm1, $0xb8;
	[tilespmem:$0x18100] =	vst v63  }
0x150: {  	s8 =	simm.s32 $0xD00  }
0x151: {  	[tilespmem:s8], [sflag:$0x1] =	stream.indirect_vreg.gather [hbm4b:s1+s3], $0x80, v3, vm0, $0xb8;
	[tilespmem:$0x18100] =	vst v63  }
0x152: {  	s8 =	simm.s32 $0x1500  }
0x153: {  	[tilespmem:s8], [sflag:$0x1] =	stream.indirect_vreg.gather [hbm4b:s5+s3], $0x80, v3, vm1, $0xb8;
	[tilespmem:$0x18100] =	vst v63  }
0x154: {  	v3 =	vld [tilespmem:$0x10];
	_ =	sdelay $0x4  }
0x155: {  	v57 =	vshrl.u32 v3, $0x3  }
0x156: {  	v4 =	vmul.u32 $0x18, v57  }
0x157: {  	v3 =	vand.u32 $0x7, v3  }
0x158: {  	v3 =	vor.u32 v3, v4  }
0x159: {  	v4 =	vperm.xlane v3, v0;
	_ =	sdelay $0x1  }
0x15a: {  	v4 =	vadd.s32 v1, v4;
	_ =	sdelay $0x1  }
0x15b: {  	v3 =	vperm.xlane v3, v2;
	_ =	sdelay $0x1  }
0x15c: {  	s8 =	simm.s32 $0x1900;
	v3 =	vadd.s32 v1, v3  }
0x15d: {  	[tilespmem:s8], [sflag:$0x1] =	stream.indirect_vreg.gather [hbm4b:s1+s3], $0x80, v4, vm0, $0xb8;
	[tilespmem:$0x18100] =	vst v63  }
0x15e: {  	s8 =	simm.s32 $0x2100  }
0x15f: {  	[tilespmem:s8], [sflag:$0x1] =	stream.indirect_vreg.gather [hbm4b:s5+s3], $0x80, v4, vm1, $0xb8;
	[tilespmem:$0x18100] =	vst v63  }
0x160: {  	s8 =	simm.s32 $0x2500  }
0x161: {  	[tilespmem:s8], [sflag:$0x1] =	stream.indirect_vreg.gather [hbm4b:s1+s3], $0x80, v3, vm0, $0xb8;
	[tilespmem:$0x18100] =	vst v63  }
0x162: {  	s8 =	simm.s32 $0x2D00  }
0x163: {  	[tilespmem:s8], [sflag:$0x1] =	stream.indirect_vreg.gather [hbm4b:s5+s3], $0x80, v3, vm1, $0xb8;
	[tilespmem:$0x18100] =	vst v63  }
0x164: {  	v3 =	vld [tilespmem:$0x20];
	_ =	sdelay $0x4  }
0x165: {  	v58 =	vshrl.u32 v3, $0x3  }
0x166: {  	v4 =	vmul.u32 $0x18, v58  }
0x167: {  	v3 =	vand.u32 $0x7, v3  }
0x168: {  	v3 =	vor.u32 v3, v4  }
0x169: {  	v4 =	vperm.xlane v3, v0;
	_ =	sdelay $0x1  }
0x16a: {  	v4 =	vadd.s32 v1, v4;
	_ =	sdelay $0x1  }
0x16b: {  	v3 =	vperm.xlane v3, v2;
	_ =	sdelay $0x1  }
0x16c: {  	s8 =	simm.s32 $0x3100;
	v3 =	vadd.s32 v1, v3  }
0x16d: {  	[tilespmem:s8], [sflag:$0x1] =	stream.indirect_vreg.gather [hbm4b:s1+s3], $0x80, v4, vm0, $0xb8;
	[tilespmem:$0x18100] =	vst v63  }
0x16e: {  	s8 =	simm.s32 $0x3900  }
0x16f: {  	[tilespmem:s8], [sflag:$0x1] =	stream.indirect_vreg.gather [hbm4b:s5+s3], $0x80, v4, vm1, $0xb8;
	[tilespmem:$0x18100] =	vst v63  }
0x170: {  	s8 =	simm.s32 $0x3D00  }
0x171: {  	[tilespmem:s8], [sflag:$0x1] =	stream.indirect_vreg.gather [hbm4b:s1+s3], $0x80, v3, vm0, $0xb8;
	[tilespmem:$0x18100] =	vst v63  }
0x172: {  	s8 =	simm.s32 $0x4500  }
0x173: {  	[tilespmem:s8], [sflag:$0x1] =	stream.indirect_vreg.gather [hbm4b:s5+s3], $0x80, v3, vm1, $0xb8;
	[tilespmem:$0x18100] =	vst v63  }
0x174: {  	v3 =	vld [tilespmem:$0x30];
	_ =	sdelay $0x4  }
0x175: {  	v59 =	vshrl.u32 v3, $0x3  }
0x176: {  	v4 =	vmul.u32 $0x18, v59  }
0x177: {  	v3 =	vand.u32 $0x7, v3  }
0x178: {  	v3 =	vor.u32 v3, v4  }
0x179: {  	v4 =	vperm.xlane v3, v0;
	_ =	sdelay $0x1  }
0x17a: {  	v4 =	vadd.s32 v1, v4;
	_ =	sdelay $0x1  }
0x17b: {  	v3 =	vperm.xlane v3, v2;
	_ =	sdelay $0x1  }
0x17c: {  	s8 =	simm.s32 $0x4900;
	v3 =	vadd.s32 v1, v3  }
0x17d: {  	[tilespmem:s8], [sflag:$0x1] =	stream.indirect_vreg.gather [hbm4b:s1+s3], $0x80, v4, vm0, $0xb8;
	[tilespmem:$0x18100] =	vst v63  }
0x17e: {  	s8 =	simm.s32 $0x5100  }
0x17f: {  	[tilespmem:s8], [sflag:$0x1] =	stream.indirect_vreg.gather [hbm4b:s5+s3], $0x80, v4, vm1, $0xb8;
	[tilespmem:$0x18100] =	vst v63  }
0x180: {  	s8 =	simm.s32 $0x5500  }
0x181: {  	[tilespmem:s8], [sflag:$0x1] =	stream.indirect_vreg.gather [hbm4b:s1+s3], $0x80, v3, vm0, $0xb8;
	[tilespmem:$0x18100] =	vst v63  }
0x182: {  	s8 =	simm.s32 $0x5D00  }
0x183: {  	[tilespmem:s8], [sflag:$0x1] =	stream.indirect_vreg.gather [hbm4b:s5+s3], $0x80, v3, vm1, $0xb8;
	[tilespmem:$0x18100] =	vst v63  }
0x184: {  	v3 =	vld [tilespmem:$0x40];
	_ =	sdelay $0x4  }
0x185: {  	v60 =	vshrl.u32 v3, $0x3  }
0x186: {  	v4 =	vmul.u32 $0x18, v60  }
0x187: {  	v3 =	vand.u32 $0x7, v3  }
0x188: {  	v3 =	vor.u32 v3, v4  }
0x189: {  	v4 =	vperm.xlane v3, v0;
	_ =	sdelay $0x1  }
0x18a: {  	v4 =	vadd.s32 v1, v4;
	_ =	sdelay $0x1  }
0x18b: {  	v3 =	vperm.xlane v3, v2;
	_ =	sdelay $0x1  }
0x18c: {  	s8 =	simm.s32 $0x6100;
	v3 =	vadd.s32 v1, v3  }
0x18d: {  	[tilespmem:s8], [sflag:$0x1] =	stream.indirect_vreg.gather [hbm4b:s1+s3], $0x80, v4, vm0, $0xb8;
	[tilespmem:$0x18100] =	vst v63  }
0x18e: {  	s8 =	simm.s32 $0x6900  }
0x18f: {  	[tilespmem:s8], [sflag:$0x1] =	stream.indirect_vreg.gather [hbm4b:s5+s3], $0x80, v4, vm1, $0xb8;
	[tilespmem:$0x18100] =	vst v63  }
0x190: {  	s8 =	simm.s32 $0x6D00  }
0x191: {  	[tilespmem:s8], [sflag:$0x1] =	stream.indirect_vreg.gather [hbm4b:s1+s3], $0x80, v3, vm0, $0xb8;
	[tilespmem:$0x18100] =	vst v63  }
0x192: {  	s8 =	simm.s32 $0x7500  }
0x193: {  	[tilespmem:s8], [sflag:$0x1] =	stream.indirect_vreg.gather [hbm4b:s5+s3], $0x80, v3, vm1, $0xb8;
	[tilespmem:$0x18100] =	vst v63  }
0x194: {  	v3 =	vld [tilespmem:$0x50];
	_ =	sdelay $0x4  }
0x195: {  	v61 =	vshrl.u32 v3, $0x3  }
0x196: {  	v4 =	vmul.u32 $0x18, v61  }
0x197: {  	v3 =	vand.u32 $0x7, v3  }
0x198: {  	v3 =	vor.u32 v3, v4  }
0x199: {  	v4 =	vperm.xlane v3, v0;
	_ =	sdelay $0x1  }
0x19a: {  	v4 =	vadd.s32 v1, v4;
	_ =	sdelay $0x1  }
0x19b: {  	v3 =	vperm.xlane v3, v2;
	_ =	sdelay $0x1  }
0x19c: {  	s8 =	simm.s32 $0x7900;
	v3 =	vadd.s32 v1, v3  }
0x19d: {  	[tilespmem:s8], [sflag:$0x1] =	stream.indirect_vreg.gather [hbm4b:s1+s3], $0x80, v4, vm0, $0xb8;
	[tilespmem:$0x18100] =	vst v63  }
0x19e: {  	s8 =	simm.s32 $0x8100  }
0x19f: {  	[tilespmem:s8], [sflag:$0x1] =	stream.indirect_vreg.gather [hbm4b:s5+s3], $0x80, v4, vm1, $0xb8;
	[tilespmem:$0x18100] =	vst v63  }
0x1a0: {  	s8 =	simm.s32 $0x8500  }
0x1a1: {  	[tilespmem:s8], [sflag:$0x1] =	stream.indirect_vreg.gather [hbm4b:s1+s3], $0x80, v3, vm0, $0xb8;
	[tilespmem:$0x18100] =	vst v63  }
0x1a2: {  	s8 =	simm.s32 $0x8D00  }
0x1a3: {  	[tilespmem:s8], [sflag:$0x1] =	stream.indirect_vreg.gather [hbm4b:s5+s3], $0x80, v3, vm1, $0xb8;
	[tilespmem:$0x18100] =	vst v63  }
0x1a4: {  	v3 =	vld [tilespmem:$0x60];
	_ =	sdelay $0x4  }
0x1a5: {  	v62 =	vshrl.u32 v3, $0x3  }
0x1a6: {  	v4 =	vmul.u32 $0x18, v62  }
0x1a7: {  	v3 =	vand.u32 $0x7, v3  }
0x1a8: {  	v3 =	vor.u32 v3, v4  }
0x1a9: {  	v4 =	vperm.xlane v3, v0;
	_ =	sdelay $0x1  }
0x1aa: {  	v4 =	vadd.s32 v1, v4;
	_ =	sdelay $0x1  }
0x1ab: {  	v3 =	vperm.xlane v3, v2;
	_ =	sdelay $0x1  }
0x1ac: {  	s8 =	simm.s32 $0x9100;
	v3 =	vadd.s32 v1, v3  }
0x1ad: {  	[tilespmem:s8], [sflag:$0x1] =	stream.indirect_vreg.gather [hbm4b:s1+s3], $0x80, v4, vm0, $0xb8;
	[tilespmem:$0x18100] =	vst v63  }
0x1ae: {  	s8 =	simm.s32 $0x9900  }
0x1af: {  	[tilespmem:s8], [sflag:$0x1] =	stream.indirect_vreg.gather [hbm4b:s5+s3], $0x80, v4, vm1, $0xb8;
	[tilespmem:$0x18100] =	vst v63  }
0x1b0: {  	s8 =	simm.s32 $0x9D00  }
0x1b1: {  	[tilespmem:s8], [sflag:$0x1] =	stream.indirect_vreg.gather [hbm4b:s1+s3], $0x80, v3, vm0, $0xb8;
	[tilespmem:$0x18100] =	vst v63  }
0x1b2: {  	s8 =	simm.s32 $0xA500  }
0x1b3: {  	[tilespmem:s8], [sflag:$0x1] =	stream.indirect_vreg.gather [hbm4b:s5+s3], $0x80, v3, vm1, $0xb8;
	[tilespmem:$0x18100] =	vst v63  }
0x1b4: {  	v3 =	vld [tilespmem:$0x70];
	_ =	sdelay $0x4  }
0x1b5: {  	v63 =	vshrl.u32 v3, $0x3  }
0x1b6: {  	v4 =	vmul.u32 $0x18, v63  }
0x1b7: {  	v3 =	vand.u32 $0x7, v3  }
0x1b8: {  	v3 =	vor.u32 v3, v4  }
0x1b9: {  	v4 =	vperm.xlane v3, v0;
	_ =	sdelay $0x1  }
0x1ba: {  	v4 =	vadd.s32 v1, v4;
	_ =	sdelay $0x2  }
0x1bb: {  	v3 =	vperm.xlane v3, v2  }
0x1bc: {  	s8 =	simm.s32 $0xA900  }
0x1bd: {  	v3 =	vadd.s32 v1, v3;
	[tilespmem:s8], [sflag:$0x1] =	stream.indirect_vreg.gather [hbm4b:s1+s3], $0x80, v4, vm0, $0xb8;
	[tilespmem:$0x18100] =	vst v63  }
0x1be: {  	s8 =	simm.s32 $0xB100  }
0x1bf: {  	[tilespmem:s8], [sflag:$0x1] =	stream.indirect_vreg.gather [hbm4b:s5+s3], $0x80, v4, vm1, $0xb8;
	[tilespmem:$0x18100] =	vst v63  }
.Ltmp5:
0x1c0: {  	_ = 	snop;
	(pc) =	sbr.rel .LBB2_4-.Ltmp5, $4  }
0x1c1: {  	s8 =	simm.s32 $0xB500  }
0x1c2: {  	[tilespmem:s8], [sflag:$0x1] =	stream.indirect_vreg.gather [hbm4b:s1+s3], $0x80, v3, vm0, $0xb8;
	[tilespmem:$0x18100] =	vst v63  }
0x1c3: {  	s8 =	simm.s32 $0xBD00  }
0x1c4: {  	[tilespmem:s8], [sflag:$0x1] =	stream.indirect_vreg.gather [hbm4b:s5+s3], $0x80, v3, vm1, $0xb8;
	[tilespmem:$0x18100] =	vst v63  }
.LBB2_6:
0x1c5: {  	_ =	sfence.sel $0x180000  }
0x1c6: {  	[bflag:$0x0] =	sbarrier.arrive $0xFFFF  }
0x1c7: {  	_ =	strace $0x90000047  }
0x1c8: {  	s0 =	stileid.u32;
	[bflag:$0x2] =	sbarrier.arrive $0xFFFF  }
0x1c9: {  	p0 =	sne.s32 s0, $0x0;
	s0 =	rddreg [dreg:$0x2]  }
0x1ca: {  	s0 =	sadd.s32 @!p0 $0x100000, s0  }
0x1cb: {  	[sflag:s0] =	ssyncadd.tile.s32 @!p0 $0x1;
	_ =	shalt  }
.Lfunc_end2:
_tile_overlayer_lowered:
.L_overlay_start_2:
0x1cc: {  	(tag) =	ssettag $0x2  }
0x1cd: {  	s0 =	rddreg [dreg:$0x0];
	s2 =	stileid.u32  }
0x1ce: {  	s1 =	rddreg [dreg:$0x1];
	p0 =	sne.s32 s2, $0x0  }
0x1cf: {  	s3 =	rddreg [dreg:$0x2];
	[bflag:$0x3] =	sbarrier.arrive $0xFFFF;
	s2 =	simm.s32 @!p0 $0x1C05  }
0x1d0: {  	[timem:s3], [sflag:s2] =	dma.local @!p0 [hbm:s0], s1  }
0x1d1: {  	s0 =	simm.s32 @!p0 $0x5  }
0x1d2: {  	_ =	swait.ge @!p0 [sflag:s0], s1  }
0x1d3: {  	s1 =	ssub.s32 @!p0 $0x0, s1;
	[sflag:s0] =	ssyncset.done @!p0 $0x0  }
0x1d4: {  	[sflag:s0] =	ssyncadd.s32 @!p0 s1  }
0x1d5: {  	[bflag:$0x3] =	sbarrier.arrive $0xFFFF  }
0x1d6: {  	_ =	shalt  }

// kernel: sparse-core-data-format-call.cloned.1.call-start
scs
called_computation_lowered:
.L_overlay_start_0:
0x0: {  	s2 =	sld [smem:$0x3FD9]  }
0x1: {  	s3 =	sld [smem:$0x3FFE];
	_ =	sdelay $0x1  }
0x2: {  	s1 =	srdreg.scid  }
0x3: {  	s0 =	sand.u32 $0x1, s1  }
0x4: {  	s18 =	sshll.u32 s0, $0xA;
	s2 =	sadd.s32 s3, s2  }
0x5: {  	s2 =	sadd.s32 s2, s18  }
0x6: {  	[smem:$0x3FC6] =	sst s2  }
0x7: {  	_ = 	snop  }
0x8: {  	s2 =	sld [smem:$0x3FD0];
	(tm) =	ssettm $0x1  }
0x9: {  	s19 =	sld [smem:$0x3FFB];
	_ =	sdelay $0x3  }
0xa: {  	_ =	strace s19  }
0xb: {  	s3 =	sld [smem:$0x3FFC];
	_ =	sdelay $0x3  }
0xc: {  	_ =	strace s3  }
0xd: {  	s3 =	sld [smem:$0x3FFD];
	_ =	sdelay $0x3  }
0xe: {  	_ =	strace s3  }
0xf: {  	_ =	strace $0x8FFFFFFF  }
0x10: {  	s20 =	sld [smem:$0x3FDB];
	_ =	sdelay $0x1  }
0x11: {  	s4 =	simm.s32 $_scs_section_size  }
0x12: {  	s5 =	simm.s32 $_size__tile_overlayer_lowered;
	s6 =	simm.s32 $_tile_overlayer_lowered  }
0x13: {  	s23 =	simm.s32 $0x1BFF;
	s22 =	sshll.u32 s6, $0x1;
	s3 =	sadd.s32 s4, s20  }
0x14: {  	s7 =	simm.s32 $0x0;
	s21 =	sshll.u32 s5, $0x1;
	s5 =	sadd.s32 s22, s3  }
0x15: {  	[timem:s7], [sflag:s23] =	dma.local [hbm:s5], s21  }
0x16: {  	_ =	swait.ge [sflag:s23], s21  }
0x17: {  	s4 =	ssub.s32 $0x0, s21;
	[sflag:s23] =	ssyncset.done $0x0  }
0x18: {  	[sflag:s23] =	ssyncadd.s32 s4;
	_ =	sdelay $0x1  }
0x19: {  	s24 =	simm.s32 $0x1B8B  }
0x1a: {  	_ =	swait.ge [sflag:s24], $0x1  }
0x1b: {  	[sflag:s24] =	ssyncset.done $0x0  }
0x1c: {  	s26 =	simm.s32 $0x1B8E;
	s25 =	sld [smem:$0x3FFE];
	[sflag:s24] =	ssyncadd.s32 $0xFFFFFFFF  }
0x1d: {  	s27 =	simm.s32 $execute0_lowered;
	[smem:$0x3FD2] =	sst s26  }
0x1e: {  	s5 =	sshll.u32 s27, $0x1;
	_ =	strace $0x80000049;
	[dreg:$0x1] =	wrdreg $0xFFFFFFFF  }
0x1f: {  	s28 =	simm.s32 $_size_execute0_lowered;
	s3 =	sadd.s32 s3, s5;
	[dreg:$0x0] =	wrdreg $0x0  }
0x20: {  	s5 =	sshll.u32 s28, $0x1;
	[dreg:$0x2] =	wrdreg s3  }
0x21: {  	[dreg:$0x3] =	wrdreg s5  }
0x22: {  	[dreg:$0x4] =	wrdreg $0xC0  }
0x23: {  	_ =	task [dreg:s7], $0x5FFFF  }
0x24: {  	[dreg:$0x1] =	wrdreg $0xFFFFFFFF  }
0x25: {  	[dreg:$0x0] =	wrdreg $0x60  }
0x26: {  	[dreg:$0x2] =	wrdreg s25  }
0x27: {  	[dreg:$0x3] =	wrdreg s2  }
0x28: {  	[dreg:$0x4] =	wrdreg $0x9  }
0x29: {  	_ =	task.clear_ibuf [dreg:s7], $0x5FFFF;
	_ =	strace $0x90000049  }
0x2a: {  	s29 =	simm.s32 $0x9;
	_ =	strace $0x8000004B  }
0x2b: {  	_ =	swait.ge [sflag:s29], $0x1  }
0x2c: {  	[sflag:s29] =	ssyncadd.s32 $0xFFFFFFFF  }
0x2d: {  	_ =	strace $0x9000004B  }
0x2e: {  	_ =	sfence  }
0x2f: {  	s30 =	sld [smem:$0x0];
	_ =	sdelay $0x2  }
0x30: {  	s31 =	sshll.u32 s1, $0xD;
	s1 =	sshrl.u32 s1, $0x2  }
0x31: {  	s3 =	sand.u32 $0x4000, s31;
	s1 =	sadd.s32 s1, s30  }
0x32: {  	s0 =	sor.u32 s3, s0;
	s1 =	sshll.u32 s1, $0x11  }
0x33: {  	s0 =	sor.u32 s1, s0  }
0x34: {  	s0 =	sadd.s32 $0x8F2B, s0  }
0x35: {  	[sflag:s0] =	ssyncadd.remote.s32 $0x1  }
0x36: {  	_ =	sfence.sel $0xFFFF  }
0x37: {  	[dreg:$0x0] =	wrdreg $0xFFFFFFFF;
	(pc) =	sbr.abs _section_cstart, $3  }
0x38: {  	[dreg:$0x1] =	wrdreg $0xFFFFFFFF  }
0x39: {  	_ =	task.clear_ibuf [dreg:s7], $0x2FFFF;
	_ =	strace $0x9FFFFFFF  }
0x3a: {  	(tm) =	ssettm $0x7FFFFFFF  }
0x3b: {  	_ =	shalt  }
tec
execute0_lowered:
.L_overlay_start_1:
0x0: {  	(tag) =	ssettag $0x1  }
0x1: {  	s0 =	srdreg.scid;
	s6 =	rddreg [dreg:$0x0]  }
0x2: {  	s3 =	rddreg [dreg:$0x1];
	s1 =	sshll.u32 s0, $0x4  }
0x3: {  	s5 =	simm.s32 $0x1;
	s0 =	stileid.u32;
	s1 =	sand.u32 $0x10, s1  }
0x4: {  	s31 =	simm.s32 $0x2;
	s18 =	simm.s32 $0x0;
	s1 =	sor.u32 s0, s1  }
0x5: {  	s8 =	simm.s32 $0xC8000;
	s17 =	simm.s32 $0x0;
	s2 =	sshll.u32 s1, $0x7  }
0x6: {  	s16 =	simm.s32 $0x0;
	s9 =	simm.s32 $0x0;
	s4 =	ssub.s32 $0x1000, s2  }
0x7: {  	s10 =	simm.s32 $0x0;
	s11 =	simm.s32 $0x0;
	s30 =	sand.u32 $0xF80, s4  }
0x8: {  	s12 =	simm.s32 $0x0;
	s13 =	simm.s32 $0x0;
	p0 =	sne.s32 s30, $0x0  }
.Ltmp0:
0x9: {  	s7 =	sshrl.u32 s4, $0xC;
	s5 =	simm.s32 @!p0 $0x0;
	(pc) =	sbr.rel .LBB1_1-.Ltmp0, $4  }
0xa: {  	s15 =	simm.s32 $0x0;
	s1 =	rddreg [dreg:$0x2];
	s5 =	sadd.s32 s5, s7  }
0xb: {  	_ =	strace $0x8000004A;
	s4 =	simm.s32 $0x1;
	s5 =	smul.u32 $0x258, s5  }
0xc: {  	s6 =	sadd.s32 $0x19800, s6;
	s14 =	smov.u32 s2;
	[sflag:s4] =	ssyncpa.u1 $0x0  }
0xd: {  	[sflag:s31] =	ssyncpa.u1 $0x0;
	p0 =	por $0x0, $0x0;
	s7 =	sor.u32 $0x1, s5  }
.LBB1_4:
0xe: {  	s23 =	sshra.s32 s23, $0x2;
	s24 =	sshll.u32 s10, $0xC  }
0xf: {  	p1 =	sgt.s32 s10, $0xC7;
	s26 =	smov.u32 s10;
	s27 =	sshra.s32 s10, $0x1F  }
0x10: {  	s28 =	smov.u32 s9;
	s29 =	sshra.s32 s11, $0x1F;
	s22 =	sadd.s32 s23, s22  }
0x11: {  	s30 =	sand.u32 $0xFFFF8000, s24;
	s24 =	sshll.u32 s11, $0x3;
	s26 =	simm.s32 @!p1 $0xC7  }
0x12: {  	p1 =	sgt.s32 s9, $0xAC;
	s27 =	sand.u32 s27, s10;
	s31 =	sand.u32 s29, s11  }
0x13: {  	s29 =	sshll.u32 s10, $0x7;
	s25 =	sand.u32 $0xFFFFFC00, s24;
	s28 =	simm.s32 @!p1 $0xAC  }
0x14: {  	p1 =	sgt.s32 s11, $0xF80;
	s23 =	sadd.s32 s25, s30;
	s25 =	ssub.s32 s26, s27  }
0x15: {  	[tilespmem:s21+$0x2040 ss:$0x81] =	vst.msk $0xffff, v4;
	s27 =	smov.u32 s11;
	s30 =	sshra.s32 s9, $0x1F;
	s26 =	sadd.s32 $0xFFFFFF39, s25  }
0x16: {  	v5 =	vld [tilespmem:s20+$0xFFFFFFD0];
	[tilespmem:s21+$0x2850 ss:$0x81] =	vst.msk $0xffff, v3;
	s27 =	simm.s32 @!p1 $0xF80;
	s23 =	sshrl.u32 s23, $0xC;
	s25 =	ssub.s32 $0xC8, s25  }
0x17: {  	v58 =	vld [tilespmem:s20+$0xFFFFFFE0];
	[tilespmem:s21+$0x3060 ss:$0x81] =	vst.msk $0xffff, v2;
	p1 =	sgt.s32 s26, $0x0;
	s26 =	ssub.s32 s27, s31;
	s27 =	sand.u32 s30, s9  }
0x18: {  	v59 =	vld [tilespmem:s20+$0xFFFFFFF0];
	[tilespmem:s21+$0x0 ss:$0x81] =	vst.msk $0xffff, v1;
	s21 =	smulhi.u32 $0x147AE15, s23;
	s30 =	sand.u32 $0x78, s11;
	s27 =	ssub.s32 s28, s27  }
0x19: {  	v60 =	vld [tilespmem:s20+$0x0];
	s25 =	simm.s32 @p1 $0x0;
	s31 =	sadd.s32 $0xFFFFF080, s26;
	s26 =	ssub.s32 $0x1000, s26  }
0x1a: {  	v61 =	vld [tilespmem:s20+$0x10];
	[tilespmem:s22+$0x3870 ss:$0x81] =	vst.msk $0xffff, v0;
	p1 =	sgt.s32 s31, $0x7F;
	s28 =	sadd.s32 $0xFFFFFF54, s27;
	s31 =	sand.u32 $0x380, s29  }
0x1b: {  	v62 =	vld [tilespmem:s20+$0x20];
	[tilespmem:s22+$0x810 ss:$0x81] =	vst.msk $0xffff, v5;
	s29 =	sand.u32 $0xC00, s24;
	s21 =	smul.u32 $0xC8, s21;
	s24 =	ssub.s32 $0x12C, s27  }
0x1c: {  	v63 =	vld [tilespmem:s20+$0xFFFFFFC0];
	[tilespmem:s22+$0x1020 ss:$0x81] =	vst.msk $0xffff, v58;
	s26 =	simm.s32 @p1 $0x0;
	s20 =	sor.u32 s30, s29;
	s30 =	smul.u32 $0x19000, s9  }
0x1d: {  	[tilespmem:s22+$0x1830 ss:$0x81] =	vst.msk $0xffff, v59;
	p1 =	sgt.s32 s28, $0x7F;
	s28 =	sand.u32 $0x7, s11;
	s25 =	smul.u32 s26, s25  }
0x1e: {  	[tilespmem:s22+$0x2040 ss:$0x81] =	vst.msk $0xffff, v60;
	s24 =	simm.s32 @p1 $0x0;
	s20 =	sor.u32 s31, s20;
	s21 =	ssub.s32 s23, s21  }
0x1f: {  	[tilespmem:s22+$0x2850 ss:$0x81] =	vst.msk $0xffff, v61;
	s20 =	sshrl.u32 s20, $0x3;
	s27 =	sadd.s32 s3, s30;
	s31 =	smul.u32 s24, s25  }
0x20: {  	[tilespmem:s22+$0x3060 ss:$0x81] =	vst.msk $0xffff, v62;
	s29 =	sshll.u32 s28, $0x12;
	s21 =	sshll.u32 s21, $0x9;
	s20 =	sadd.s32 s20, s27  }
0x21: {  	[tilespmem:s22+$0x0 ss:$0x81] =	vst.msk $0xffff, v63;
	s20 =	sadd.s32 s21, s20;
	s30 =	sand.u32 $0x3FFFFFFF, s31;
	s31 =	sor.u32 $0x80, s29  }
0x22: {  	[hbm4b:s20+s31] =	stream.strided.scatter [tilespmem:s19], [sflag:$0x2], s30, s8, s31, $0x20;
	[tilespmem:$0x10100] =	vst v63  }
.LBB1_5:
0x23: {  	p1 =	slt.u32 s15, $0x2  }
0x24: {  	p2 =	sgt.s32 @!p1 s18, $0xAC  }
0x25: {  	s19 =	smov.u32 s18;
	s20 =	sshra.s32 @!p1 s18, $0x1F;
	p2 =	por !p2, p1  }
0x26: {  	s18 =	sand.u32 @!p1 s20, s18;
	s19 =	simm.s32 @p2 $0xAC  }
0x27: {  	s20 =	sshra.s32 @!p1 s17, $0x1F;
	p2 =	sgt.s32 @!p1 s17, $0xC7;
	s18 =	ssub.s32 @!p1 s19, s18  }
0x28: {  	p2 =	por !p2, p1;
	s19 =	smov.u32 s17;
	s17 =	sand.u32 @!p1 s20, s17  }
0x29: {  	s20 =	sshra.s32 @!p1 s16, $0x1F;
	s19 =	simm.s32 @p2 $0xC7;
	p2 =	sgt.s32 @!p1 s16, $0xF80  }
0x2a: {  	s17 =	ssub.s32 @!p1 s19, s17;
	p2 =	por !p2, p1;
	s19 =	smov.u32 s16  }
0x2b: {  	s16 =	sand.u32 @!p1 s20, s16;
	s20 =	sadd.s32 @!p1 $0xFFFFFF39, s17;
	s19 =	simm.s32 @p2 $0xF80  }
0x2c: {  	p2 =	sgt.s32 @!p1 s20, $0x0;
	s16 =	ssub.s32 @!p1 s19, s16  }
0x2d: {  	s17 =	ssub.s32 @!p1 $0xC8, s17;
	p2 =	por !p2, p1;
	s19 =	sadd.s32 @!p1 $0xFFFFF080, s16  }
0x2e: {  	s17 =	simm.s32 @!p2 $0x0;
	p2 =	sgt.s32 @!p1 s19, $0x7F  }
0x2f: {  	s21 =	smov.u32 s14;
	s16 =	ssub.s32 @!p1 $0x1000, s16;
	p2 =	por !p2, p1  }
0x30: {  	s20 =	sadd.s32 @!p1 $0xFFFFFF54, s18;
	s19 =	sadd.s32 $0x80, s12;
	s16 =	simm.s32 @!p2 $0x0  }
0x31: {  	p2 =	sgt.s32 s19, $0x12B;
	s16 =	smul.u32 @!p1 s16, s17;
	s17 =	simm.s32 $0x1  }
0x32: {  	p0 =	por !p0, !p0;
	p3 =	sgt.s32 @!p1 s20, $0x7F;
	s17 =	simm.s32 @!p2 $0x0  }
0x33: {  	s18 =	ssub.s32 @!p1 $0x12C, s18;
	p3 =	por !p3, p1;
	s20 =	sadd.s32 s17, s13  }
0x34: {  	s18 =	simm.s32 @!p3 $0x0;
	s17 =	sadd.s32 $0x1000, s14;
	p3 =	sgt.s32 s20, $0xC7  }
0x35: {  	s22 =	simm.s32 @!p1 $0x2;
	s19 =	simm.s32 @p2 $0x0;
	s21 =	smov.u32 @p3 s17  }
0x36: {  	s16 =	smul.u32 @!p1 s18, s16;
	s18 =	smov.u32 s9;
	p2 =	sgt.s32 s21, $0xFFF  }
0x37: {  	s9 =	smov.u32 s12;
	s21 =	smov.u32 @p2 s2;
	p2 =	sne.s32 s15, s7  }
.Ltmp1:
0x38: {  	s12 =	smov.u32 s19;
	s16 =	sand.u32 @!p1 $0x3FFFFFFF, s16;
	(pc) =	sbr.rel @!p2 .LBB1_6-.Ltmp1, $4  }
0x39: {  	s20 =	simm.s32 @p3 $0x0;
	s17 =	smov.u32 s10;
	s10 =	smov.u32 s13  }
0x3a: {  	_ =	swait.ge @!p1 [sflag:s22], s16;
	s23 =	ssub.s32 @!p1 $0x0, s16;
	s16 =	smov.u32 s11  }
0x3b: {  	s11 =	smov.u32 s14;
	s13 =	smov.u32 s20;
	[sflag:s22] =	ssyncset.done @!p1 $0x0  }
0x3c: {  	s15 =	sadd.s32 $0x1, s15;
	[sflag:s22] =	ssyncadd.s32 @!p1 s23;
	s14 =	smov.u32 s21  }
.LBB1_1:
0x3d: {  	p1 =	sge.u32 s15, s5  }
0x3e: {  	s19 =	sshrl.u32 @!p1 s13, $0x3  }
0x3f: {  	s20 =	sshll.u32 @!p1 s12, $0x3;
	s19 =	smul.u32 @!p1 $0xC00, s19  }
0x40: {  	s21 =	sshll.u32 @!p1 s13, $0x7;
	s20 =	sand.u32 @!p1 $0xFFFFFC00, s20  }
0x41: {  	s19 =	sadd.s32 @!p1 s19, s20;
	s20 =	sand.u32 @!p1 $0x380, s21  }
0x42: {  	s19 =	sor.u32 @!p1 s20, s19  }
0x43: {  	s20 =	sand.u32 @!p1 $0x7F, s12;
	s21 =	smulhi.u32 @!p1 $0xAAAAAAAB, s19  }
0x44: {  	s19 =	sor.u32 @!p1 s20, s19  }
0x45: {  	s20 =	smulhi.u32 @!p1 $0xAAAAAAAB, s19;
	s21 =	sshrl.u32 @!p1 s21, $0x8  }
0x46: {  	s22 =	smulhi.u32 @!p1 $0x147AE15, s21;
	_ =	sdelay $0x1  }
0x47: {  	s20 =	sshrl.u32 @!p1 s20, $0x8;
	s22 =	smul.u32 @!p1 $0xC8, s22  }
0x48: {  	s31 =	sadd.s32 $0xFFFFFFFF, s15;
	s20 =	smul.u32 @!p1 $0x180, s20  }
0x49: {  	s23 =	sxor.u32 @!p1 $0xFFFFFFFF, s15;
	s21 =	ssub.s32 @!p1 s21, s22;
	s22 =	smul.u32 @!p1 $0x2580, s14  }
0x4a: {  	s23 =	sshll.u32 @!p1 s23, $0xE;
	s19 =	ssub.s32 @!p1 s19, s20;
	s20 =	smul.u32 @!p1 $0x30, s21  }
0x4b: {  	s21 =	sand.u32 @!p1 $0x4000, s23;
	s23 =	sand.u32 @!p1 $0x7, s19;
	s22 =	sadd.s32 @!p1 s6, s22  }
0x4c: {  	s19 =	sshrl.u32 @!p1 s19, $0x3;
	s20 =	sadd.s32 @!p1 s20, s22;
	s22 =	sshll.u32 @!p1 s23, $0x12  }
0x4d: {  	s19 =	sadd.s32 @!p1 s19, s20;
	s20 =	sor.u32 @!p1 $0x80, s22;
	s22 =	simm.s32 @!p1 $0x12C00  }
0x4e: {  	[tilespmem:s21], [sflag:$0x1] =	stream.strided.gather @!p1 [hbm4b:s19+s20], $0x4000, s22, s20, $0x38;
	[tilespmem:$0x10100] =	vst v63  }
0x4f: {  	p1 =	sge.u32 s31, s5  }
.Ltmp2:
0x50: {  	_ = 	snop;
	(pc) =	sbr.rel @p1 .LBB1_5-.Ltmp2, $1  }
0x51: {  	_ =	sdelay $0x3  }
0x52: {  	s19 =	simm.s32 $0x1  }
0x53: {  	_ =	swait.ge [sflag:s4], $0x4000;
	s19 =	simm.s32 @!p0 $0x0  }
0x54: {  	[sflag:s4] =	ssyncset.done $0x0;
	s20 =	sshll.u32 s19, $0xE  }
0x55: {  	[sflag:s4] =	ssyncadd.s32 $0xFFFFC000;
	s20 =	sor.u32 $0x40, s20  }
0x56: {  	s19 =	smul.u32 $0x10200, s19;
	v0 =	vld [tilespmem:s20+$0x30]  }
0x57: {  	v1 =	vld [tilespmem:s20+$0xFFFFFFD0]  }
0x58: {  	s19 =	sshrl.u32 s19, $0x2;
	v5 =	vld [tilespmem:s20+$0xFFFFFFE0]  }
0x59: {  	v6 =	vld [tilespmem:s20+$0xFFFFFFF0];
	s22 =	sor.u32 $0x8000, s19  }
0x5a: {  	s31 =	sand.u32 $0x1, s15;
	v4 =	vld [tilespmem:s20+$0x0];
	s21 =	sadd.s32 $0x0, s22  }
0x5b: {  	v3 =	vld [tilespmem:s20+$0x10];
	s19 =	smul.u32 $0x10200, s31;
	[tilespmem:s21+$0x3870 ss:$0x81] =	vst.msk $0xffff, v0  }
0x5c: {  	v2 =	vld [tilespmem:s20+$0x20];
	[tilespmem:s21+$0x810 ss:$0x81] =	vst.msk $0xffff, v1  }
0x5d: {  	s19 =	sshrl.u32 s19, $0x2;
	v1 =	vld [tilespmem:s20+$0xFFFFFFC0];
	[tilespmem:s21+$0x1020 ss:$0x81] =	vst.msk $0xffff, v5;
	s20 =	sadd.s32 $0x80, s20  }
0x5e: {  	s23 =	simm.s32 $0x4;
	s24 =	simm.s32 $0x8;
	s19 =	sor.u32 $0x8000, s19;
	[tilespmem:s21+$0x1830 ss:$0x81] =	vst.msk $0xffff, v6;
	v0 =	vld [tilespmem:s20+$0x30]  }
.LBB1_3:
0x5f: {  	p1 =	sne.s32 s24, $0x1FC;
	v5 =	vld [tilespmem:s20+$0xFFFFFFD0];
	[tilespmem:s21+$0x2040 ss:$0x81] =	vst.msk $0xffff, v4  }
0x60: {  	v6 =	vld [tilespmem:s20+$0xFFFFFFE0];
	[tilespmem:s21+$0x2850 ss:$0x81] =	vst.msk $0xffff, v3  }
0x61: {  	s25 =	sshra.s32 s23, $0x2;
	s23 =	smov.u32 s24;
	v7 =	vld [tilespmem:s20+$0xFFFFFFF0];
	[tilespmem:s21+$0x3060 ss:$0x81] =	vst.msk $0xffff, v2  }
.Ltmp3:
0x62: {  	v4 =	vld [tilespmem:s20+$0x0];
	[tilespmem:s21+$0x0 ss:$0x81] =	vst.msk $0xffff, v1;
	s21 =	sadd.s32 s25, s22;
	(pc) =	sbr.rel @p1 .LBB1_3-.Ltmp3, $4  }
0x63: {  	v3 =	vld [tilespmem:s20+$0x10];
	[tilespmem:s21+$0x3870 ss:$0x81] =	vst.msk $0xffff, v0  }
0x64: {  	[tilespmem:s21+$0x810 ss:$0x81] =	vst.msk $0xffff, v5;
	v2 =	vld [tilespmem:s20+$0x20]  }
0x65: {  	v1 =	vld [tilespmem:s20+$0xFFFFFFC0];
	[tilespmem:s21+$0x1020 ss:$0x81] =	vst.msk $0xffff, v6;
	s20 =	sadd.s32 $0x80, s20  }
0x66: {  	s24 =	sadd.s32 $0x4, s24;
	v0 =	vld [tilespmem:s20+$0x30];
	[tilespmem:s21+$0x1830 ss:$0x81] =	vst.msk $0xffff, v7  }
.Ltmp4:
0x67: {  	_ = 	snop;
	(pc) =	sbr.rel .LBB1_4-.Ltmp4, $1  }
0x68: {  	_ =	sdelay $0x3  }
.LBB1_6:
0x69: {  	_ =	sfence.sel $0x180000  }
0x6a: {  	s2 =	simm.s32 $0x1;
	[bflag:$0x0] =	sbarrier.arrive $0xFFFF  }
0x6b: {  	s31 =	simm.s32 $0x2;
	[sflag:s2] =	ssyncpa.u1 $0x1  }
0x6c: {  	[sflag:s31] =	ssyncpa.u1 $0x1  }
0x6d: {  	p0 =	sne.s32 s0, $0x0;
	_ =	strace $0x9000004A  }
0x6e: {  	s0 =	sadd.s32 @!p0 $0x100000, s1;
	[bflag:$0x2] =	sbarrier.arrive $0xFFFF  }
0x6f: {  	[sflag:s0] =	ssyncadd.tile.s32 @!p0 $0x1;
	_ =	shalt  }
.Lfunc_end1:
_tile_overlayer_lowered:
.L_overlay_start_2:
0x70: {  	(tag) =	ssettag $0x2  }
0x71: {  	s0 =	rddreg [dreg:$0x0];
	s2 =	stileid.u32  }
0x72: {  	s1 =	rddreg [dreg:$0x1];
	p0 =	sne.s32 s2, $0x0  }
0x73: {  	s3 =	rddreg [dreg:$0x2];
	[bflag:$0x3] =	sbarrier.arrive $0xFFFF;
	s2 =	simm.s32 @!p0 $0x1C01  }
0x74: {  	[timem:s3], [sflag:s2] =	dma.local @!p0 [hbm:s0], s1  }
0x75: {  	s0 =	simm.s32 @!p0 $0x1  }
0x76: {  	_ =	swait.ge @!p0 [sflag:s0], s1  }
0x77: {  	s1 =	ssub.s32 @!p0 $0x0, s1;
	[sflag:s0] =	ssyncset.done @!p0 $0x0  }
0x78: {  	[sflag:s0] =	ssyncadd.s32 @!p0 s1  }
0x79: {  	[bflag:$0x3] =	sbarrier.arrive $0xFFFF  }
0x7a: {  	_ =	shalt  }

</sc_bundles>
